<compile_context>
chip_gen: v7x
topology: tpu7x:2x2x1
jax: 0.10.2.dev20260603
libtpu: 0.0.44.dev20260713+nightly
codegen_flags: <defaults>
</compile_context>

<pallas_src>
import functools
import math

import jax
import jax.numpy as jnp
from jax import lax
from jax.experimental import pallas as pl
from jax.experimental.pallas import tpu as pltpu
from jax.experimental.pallas import tpu_sc as plsc

DIM = 128
SEQ = 200
BATCH = 1024
N_TOKENS = BATCH * SEQ
SCALE = math.sqrt(float(DIM))

NW = 32
PER_W = N_TOKENS // NW
CHUNK = SEQ
N_CHUNKS = PER_W // CHUNK
SPLIT_A = 96
SPLIT_B = CHUNK - SPLIT_A
LANES = 16
NBUF = 3


def _pos_encoding():
    pos = jnp.arange(SEQ, dtype=jnp.float32)[:, None]
    i = jnp.arange(DIM, dtype=jnp.float32)[None, :]
    div = jnp.power(10000.0, 2.0 * i / DIM)
    angles = pos / div
    is_odd = (jnp.arange(DIM) % 2 == 1)[None, :]
    return jnp.where(is_odd, jnp.cos(angles), jnp.sin(angles))


_mesh = plsc.VectorSubcoreMesh(core_axis_name="c", subcore_axis_name="s")


@functools.partial(
    pl.kernel,
    mesh=_mesh,
    out_type=jax.ShapeDtypeStruct((N_TOKENS, DIM), jnp.float32),
    scratch_types=[
        pltpu.VMEM((PER_W,), jnp.int32),
        pltpu.VMEM((CHUNK, DIM), jnp.float32),
        pltpu.VMEM((CHUNK, DIM), jnp.float32),
        pltpu.VMEM((CHUNK, DIM), jnp.float32),
        pltpu.VMEM((SEQ, DIM), jnp.float32),
        pltpu.SemaphoreType.DMA,
        pltpu.SemaphoreType.DMA,
        pltpu.SemaphoreType.DMA,
        pltpu.SemaphoreType.DMA,
        pltpu.SemaphoreType.DMA,
        pltpu.SemaphoreType.DMA,
        pltpu.SemaphoreType.DMA,
    ],
)
def _sc_embed(table, idx, pe, out,
              idx_v, buf0, buf1, buf2, pe_v, g0, g1, g2, o0, o1, o2, psem):
    wid = lax.axis_index("s") * 2 + lax.axis_index("c")
    base = wid * PER_W

    bufs = (buf0, buf1, buf2)
    gsems = (g0, g1, g2)
    osems = (o0, o1, o2)

    pltpu.async_copy(pe, pe_v, psem)
    pltpu.sync_copy(idx.at[pl.ds(base, PER_W)], idx_v)

    def start_gather(c, b):
        off = c * CHUNK
        pltpu.async_copy(table.at[idx_v.at[pl.ds(off, SPLIT_A)]],
                         bufs[b].at[pl.ds(0, SPLIT_A)], gsems[b])
        pltpu.async_copy(table.at[idx_v.at[pl.ds(off + SPLIT_A, SPLIT_B)]],
                         bufs[b].at[pl.ds(SPLIT_A, SPLIT_B)], gsems[b])

    def wait_gather(b):
        pltpu.make_async_copy(table.at[pl.ds(0, CHUNK)], bufs[b],
                              gsems[b]).wait()

    def compute(b):
        buf = bufs[b]

        def row(r, carry):
            for k in range(DIM // LANES):
                sl = pl.ds(k * LANES, LANES)
                buf[r, sl] = buf[r, sl] * SCALE + pe_v[r, sl]
            return carry

        lax.fori_loop(0, CHUNK, row, 0)

    def start_out(c, b):
        off = base + c * CHUNK
        pltpu.async_copy(bufs[b], out.at[pl.ds(off, CHUNK)], osems[b])

    def wait_out(b):
        pltpu.make_async_copy(bufs[b], out.at[pl.ds(0, CHUNK)],
                              osems[b]).wait()

    def step(c, b, *, first_use_next=False, start_next=True):
        wait_gather(b)
        compute(b)
        start_out(c, b)
        if start_next:
            bn = (b + 2) % NBUF
            if not first_use_next:
                wait_out(bn)
            start_gather(c + 2, bn)

    start_gather(0, 0)
    start_gather(1, 1)
    pltpu.make_async_copy(pe, pe_v, psem).wait()

    step(0, 0, first_use_next=True)

    def main(i, carry):
        for j in range(NBUF):
            c = 1 + i * NBUF + j
            step(c, (1 + j) % NBUF)
        return carry

    lax.fori_loop(0, 9, main, 0)

    step(28, (28 % NBUF))
    step(29, (29 % NBUF))
    step(30, (30 % NBUF), start_next=False)
    step(31, (31 % NBUF), start_next=False)

    for b in range(NBUF):
        wait_out(b)


def kernel(encoded_words, embed_weight):
    idx = encoded_words.reshape(-1).astype(jnp.int32)
    pe = _pos_encoding()
    out = _sc_embed(embed_weight, idx, pe)
    return out.reshape(encoded_words.shape[0], encoded_words.shape[1], DIM)

# --- scband reference (transcript-rebuilt; emitter-appended) ---
"""Pipeline reference for scband-position-encoded-embeddings-55997783605788 (READ-ONLY COPY).

The authoritative reference and input builder live on the scoring server;
editing this copy changes nothing except your own understanding.
"""

import jax, jax.numpy as jnp
import numpy as np
import math

VOCAB = 100000
DIM = 128
MAX_LEN = 201
B = 1024
L = 200

def _positional_encoding(max_len, model_dim):
    pos = jnp.arange(max_len, dtype=jnp.float32)[:, None]          # [max_len, 1]
    i = jnp.arange(model_dim, dtype=jnp.float32)[None, :]          # [1, model_dim]
    div = jnp.power(10000.0, 2.0 * i / model_dim)
    angles = pos / div
    is_odd = (jnp.arange(model_dim) % 2 == 1)[None, :]
    pe = jnp.where(is_odd, jnp.cos(angles), jnp.sin(angles))
    return pe[None, :, :]                                          # [1, max_len, model_dim]

def setup_inputs(seed: int = 0) -> dict:
    key = jax.random.key(seed)
    k1, k2 = jax.random.split(key)
    encoded_words = jax.random.randint(k1, (B, L), 0, VOCAB, dtype=jnp.int64)
    embed_weight = jax.random.normal(k2, (VOCAB, DIM), dtype=jnp.float32)
    return {"encoded_words": encoded_words, "embed_weight": embed_weight}

def reference(encoded_words, embed_weight):
    pe = _positional_encoding(MAX_LEN, DIM)
    embedding = jnp.take(embed_weight, encoded_words, axis=0) * math.sqrt(DIM)
    embedding = embedding + pe[:, :embedding.shape[1]]
    return embedding

if __name__ == "__main__":
    import jax
    _d = setup_inputs()
    print(jax.jit(kernel)(*tuple(_d.values())))

</pallas_src>

<mosaic_0001>
#map = affine_map<(d0, d1) -> (0, 0)>
#map1 = affine_map<(d0, d1) -> (0)>
module attributes {stable_mosaic.version = 14 : i64} {
  func.func @_sc_embed(%arg0: i32, %arg1: i32, %arg2: memref<100000x128xf32, #tpu.memory_space<hbm>>, %arg3: memref<204800xi32, #tpu.memory_space<hbm>>, %arg4: memref<200x128xf32, #tpu.memory_space<hbm>>, %arg5: memref<204800x128xf32, #tpu.memory_space<hbm>>, %arg6: memref<6400xi32, #tpu.memory_space<vmem>>, %arg7: memref<200x128xf32, #tpu.memory_space<vmem>>, %arg8: memref<200x128xf32, #tpu.memory_space<vmem>>, %arg9: memref<200x128xf32, #tpu.memory_space<vmem>>, %arg10: memref<200x128xf32, #tpu.memory_space<vmem>>, %arg11: memref<!tpu.dma_semaphore, #tpu.memory_space<semaphore_mem>>, %arg12: memref<!tpu.dma_semaphore, #tpu.memory_space<semaphore_mem>>, %arg13: memref<!tpu.dma_semaphore, #tpu.memory_space<semaphore_mem>>, %arg14: memref<!tpu.dma_semaphore, #tpu.memory_space<semaphore_mem>>, %arg15: memref<!tpu.dma_semaphore, #tpu.memory_space<semaphore_mem>>, %arg16: memref<!tpu.dma_semaphore, #tpu.memory_space<semaphore_mem>>, %arg17: memref<!tpu.dma_semaphore, #tpu.memory_space<semaphore_mem>>) attributes {dimension_semantics = [#tpu.dimension_semantics<core_parallel>, #tpu.dimension_semantics<subcore_parallel>], iteration_bounds = array<i64: 2, 16>, scalar_prefetch = 0 : i64, scratch_operands = 12 : i64, tpu.core_type = #tpu.core_type<sc_vector_subcore>, window_params = [{transform_indices = #map}, {transform_indices = #map1}, {transform_indices = #map}, {transform_indices = #map}]} {
    %mul3A = arith.constant 2 : i32
    %mul3A_0 = arith.muli %arg1, %mul3A : i32
    %add3A = arith.addi %mul3A_0, %arg0 : i32
    %mul3A_1 = arith.constant 6400 : i32
    %mul3A_2 = arith.muli %add3A, %mul3A_1 : i32
    tpu.enqueue_dma source(%arg4 : memref<200x128xf32, #tpu.memory_space<hbm>>) target(%arg10 : memref<200x128xf32, #tpu.memory_space<vmem>>) target_semaphore(%arg17 : memref<!tpu.dma_semaphore, #tpu.memory_space<semaphore_mem>>)
    "tpu.region"() ({
      %run_scoped3A = tpu.sem_alloc : memref<!tpu.dma_semaphore, #tpu.memory_space<semaphore_mem>>
      %dma_start3A_206 = tpu.memref_slice %arg3[%mul3A_2] : memref<204800xi32, #tpu.memory_space<hbm>> -> memref<6400xi32, #tpu.memory_space<hbm>>
      %dma_start3A_207 = tpu.memref_slice %arg3[%mul3A_2] : memref<204800xi32, #tpu.memory_space<hbm>> -> memref<6400xi32, #tpu.memory_space<hbm>>
      tpu.enqueue_dma source(%dma_start3A_207 : memref<6400xi32, #tpu.memory_space<hbm>>) target(%arg6 : memref<6400xi32, #tpu.memory_space<vmem>>) target_semaphore(%run_scoped3A : memref<!tpu.dma_semaphore, #tpu.memory_space<semaphore_mem>>)
      %dma_wait3A_208 = tpu.memref_slice %arg3[%mul3A_2] : memref<204800xi32, #tpu.memory_space<hbm>> -> memref<6400xi32, #tpu.memory_space<hbm>>
      %dma_wait3A_209 = tpu.memref_slice %arg3[%mul3A_2] : memref<204800xi32, #tpu.memory_space<hbm>> -> memref<6400xi32, #tpu.memory_space<hbm>>
      tpu.wait_dma2 semaphore(%run_scoped3A : memref<!tpu.dma_semaphore, #tpu.memory_space<semaphore_mem>>) src(%dma_wait3A_209 : memref<6400xi32, #tpu.memory_space<hbm>>) dst(%arg6 : memref<6400xi32, #tpu.memory_space<vmem>>)
      tpu.yield
    }) : () -> ()
    %dma_start3A = arith.constant 0 : i32
    %dma_start3A_3 = arith.constant 0 : i32
    %dma_start3A_4 = tpu.memref_slice %arg7[%dma_start3A, %dma_start3A_3] : memref<200x128xf32, #tpu.memory_space<vmem>> -> memref<96x128xf32, #tpu.memory_space<vmem>>
    %dma_start3A_5 = arith.constant 0 : i32
    %dma_start3A_6 = tpu.memref_slice %arg6[%dma_start3A_5] : memref<6400xi32, #tpu.memory_space<vmem>> -> memref<96xi32, #tpu.memory_space<vmem>>
    %dma_start3A_7 = arith.constant 0 : i32
    %dma_start3A_8 = arith.constant 0 : i32
    %dma_start3A_9 = tpu.memref_slice %arg2[%dma_start3A_7, %dma_start3A_8] : memref<100000x128xf32, #tpu.memory_space<hbm>> -> memref<100000x128xf32, #tpu.memory_space<hbm>>
    tpu.enqueue_indirect_dma source(%dma_start3A_9 : memref<100000x128xf32, #tpu.memory_space<hbm>>) target(%dma_start3A_4 : memref<96x128xf32, #tpu.memory_space<vmem>>) offsets(%dma_start3A_6 : memref<96xi32, #tpu.memory_space<vmem>>) semaphore(%arg11 : memref<!tpu.dma_semaphore, #tpu.memory_space<semaphore_mem>>)
    %dma_start3A_10 = arith.constant 96 : i32
    %dma_start3A_11 = arith.constant 0 : i32
    %dma_start3A_12 = tpu.memref_slice %arg7[%dma_start3A_10, %dma_start3A_11] : memref<200x128xf32, #tpu.memory_space<vmem>> -> memref<104x128xf32, #tpu.memory_space<vmem>>
    %dma_start3A_13 = arith.constant 96 : i32
    %dma_start3A_14 = tpu.memref_slice %arg6[%dma_start3A_13] : memref<6400xi32, #tpu.memory_space<vmem>> -> memref<104xi32, #tpu.memory_space<vmem>>
    %dma_start3A_15 = arith.constant 0 : i32
    %dma_start3A_16 = arith.constant 0 : i32
    %dma_start3A_17 = tpu.memref_slice %arg2[%dma_start3A_15, %dma_start3A_16] : memref<100000x128xf32, #tpu.memory_space<hbm>> -> memref<100000x128xf32, #tpu.memory_space<hbm>>
    tpu.enqueue_indirect_dma source(%dma_start3A_17 : memref<100000x128xf32, #tpu.memory_space<hbm>>) target(%dma_start3A_12 : memref<104x128xf32, #tpu.memory_space<vmem>>) offsets(%dma_start3A_14 : memref<104xi32, #tpu.memory_space<vmem>>) semaphore(%arg11 : memref<!tpu.dma_semaphore, #tpu.memory_space<semaphore_mem>>)
    %dma_start3A_18 = arith.constant 0 : i32
    %dma_start3A_19 = arith.constant 0 : i32
    %dma_start3A_20 = tpu.memref_slice %arg8[%dma_start3A_18, %dma_start3A_19] : memref<200x128xf32, #tpu.memory_space<vmem>> -> memref<96x128xf32, #tpu.memory_space<vmem>>
    %dma_start3A_21 = arith.constant 200 : i32
    %dma_start3A_22 = tpu.memref_slice %arg6[%dma_start3A_21] : memref<6400xi32, #tpu.memory_space<vmem>> -> memref<96xi32, #tpu.memory_space<vmem>>
    %dma_start3A_23 = arith.constant 0 : i32
    %dma_start3A_24 = arith.constant 0 : i32
    %dma_start3A_25 = tpu.memref_slice %arg2[%dma_start3A_23, %dma_start3A_24] : memref<100000x128xf32, #tpu.memory_space<hbm>> -> memref<100000x128xf32, #tpu.memory_space<hbm>>
    tpu.enqueue_indirect_dma source(%dma_start3A_25 : memref<100000x128xf32, #tpu.memory_space<hbm>>) target(%dma_start3A_20 : memref<96x128xf32, #tpu.memory_space<vmem>>) offsets(%dma_start3A_22 : memref<96xi32, #tpu.memory_space<vmem>>) semaphore(%arg12 : memref<!tpu.dma_semaphore, #tpu.memory_space<semaphore_mem>>)
    %dma_start3A_26 = arith.constant 96 : i32
    %dma_start3A_27 = arith.constant 0 : i32
    %dma_start3A_28 = tpu.memref_slice %arg8[%dma_start3A_26, %dma_start3A_27] : memref<200x128xf32, #tpu.memory_space<vmem>> -> memref<104x128xf32, #tpu.memory_space<vmem>>
    %dma_start3A_29 = arith.constant 296 : i32
    %dma_start3A_30 = tpu.memref_slice %arg6[%dma_start3A_29] : memref<6400xi32, #tpu.memory_space<vmem>> -> memref<104xi32, #tpu.memory_space<vmem>>
    %dma_start3A_31 = arith.constant 0 : i32
    %dma_start3A_32 = arith.constant 0 : i32
    %dma_start3A_33 = tpu.memref_slice %arg2[%dma_start3A_31, %dma_start3A_32] : memref<100000x128xf32, #tpu.memory_space<hbm>> -> memref<100000x128xf32, #tpu.memory_space<hbm>>
    tpu.enqueue_indirect_dma source(%dma_start3A_33 : memref<100000x128xf32, #tpu.memory_space<hbm>>) target(%dma_start3A_28 : memref<104x128xf32, #tpu.memory_space<vmem>>) offsets(%dma_start3A_30 : memref<104xi32, #tpu.memory_space<vmem>>) semaphore(%arg12 : memref<!tpu.dma_semaphore, #tpu.memory_space<semaphore_mem>>)
    tpu.wait_dma2 semaphore(%arg17 : memref<!tpu.dma_semaphore, #tpu.memory_space<semaphore_mem>>) src(%arg4 : memref<200x128xf32, #tpu.memory_space<hbm>>) dst(%arg10 : memref<200x128xf32, #tpu.memory_space<vmem>>)
    %dma_wait3A = arith.constant 0 : i32
    %dma_wait3A_34 = arith.constant 0 : i32
    %dma_wait3A_35 = tpu.memref_slice %arg2[%dma_wait3A, %dma_wait3A_34] : memref<100000x128xf32, #tpu.memory_space<hbm>> -> memref<200x128xf32, #tpu.memory_space<hbm>>
    %dma_wait3A_36 = arith.constant 0 : i32
    %dma_wait3A_37 = arith.constant 0 : i32
    %dma_wait3A_38 = tpu.memref_slice %arg2[%dma_wait3A_36, %dma_wait3A_37] : memref<100000x128xf32, #tpu.memory_space<hbm>> -> memref<200x128xf32, #tpu.memory_space<hbm>>
    tpu.wait_dma2 semaphore(%arg11 : memref<!tpu.dma_semaphore, #tpu.memory_space<semaphore_mem>>) src(%dma_wait3A_38 : memref<200x128xf32, #tpu.memory_space<hbm>>) dst(%arg7 : memref<200x128xf32, #tpu.memory_space<vmem>>)
    %scan3A = arith.constant 0 : i32
    %scan3A_39 = arith.constant 0 : i32
    %scan3A_40 = arith.constant 200 : i32
    %scan3A_41 = arith.addi %scan3A_39, %scan3A_40 : i32
    %scan3A_42 = arith.constant 1 : i32
    scf.for %scan3A_206 = %scan3A_39 to %scan3A_41 step %scan3A_42  : i32 {
      %get3A = arith.index_cast %scan3A_206 : i32 to index
      %get3A_207 = arith.constant 0 : index
      %get3A_208 = tpu.vector_load %arg7[%get3A, %get3A_207] {strides = array<i32>} : memref<200x128xf32, #tpu.memory_space<vmem>>, vector<1x16xf32>,
      %get3A_209 = vector.shape_cast %get3A_208 : vector<1x16xf32> to vector<16xf32>
      %mul3A_210 = arith.constant 11.3137083 : f32
      %mul3A_211 = vector.broadcast %mul3A_210 : f32 to vector<16xf32>
      %mul3A_212 = arith.mulf %get3A_209, %mul3A_211 : vector<16xf32>
      %get3A_213 = arith.index_cast %scan3A_206 : i32 to index
      %get3A_214 = arith.constant 0 : index
      %get3A_215 = tpu.vector_load %arg10[%get3A_213, %get3A_214] {strides = array<i32>} : memref<200x128xf32, #tpu.memory_space<vmem>>, vector<1x16xf32>,
      %get3A_216 = vector.shape_cast %get3A_215 : vector<1x16xf32> to vector<16xf32>
      %add3A_217 = arith.addf %mul3A_212, %get3A_216 : vector<16xf32>
      %swap3A = arith.index_cast %scan3A_206 : i32 to index
      %swap3A_218 = arith.constant 0 : index
      %swap3A_219 = tpu.vector_load %arg7[%swap3A, %swap3A_218] {strides = array<i32>} : memref<200x128xf32, #tpu.memory_space<vmem>>, vector<1x16xf32>,
      %swap3A_220 = vector.shape_cast %swap3A_219 : vector<1x16xf32> to vector<16xf32>
      %swap3A_221 = vector.shape_cast %add3A_217 : vector<16xf32> to vector<1x16xf32>
      tpu.vector_store %arg7[%swap3A, %swap3A_218], %swap3A_221 {strides = array<i32>} : memref<200x128xf32, #tpu.memory_space<vmem>>, vector<1x16xf32>,
      %get3A_222 = arith.index_cast %scan3A_206 : i32 to index
      %get3A_223 = arith.constant 16 : index
      %get3A_224 = tpu.vector_load %arg7[%get3A_222, %get3A_223] {strides = array<i32>} : memref<200x128xf32, #tpu.memory_space<vmem>>, vector<1x16xf32>,
      %get3A_225 = vector.shape_cast %get3A_224 : vector<1x16xf32> to vector<16xf32>
      %mul3A_226 = arith.constant 11.3137083 : f32
      %mul3A_227 = vector.broadcast %mul3A_226 : f32 to vector<16xf32>
      %mul3A_228 = arith.mulf %get3A_225, %mul3A_227 : vector<16xf32>
      %get3A_229 = arith.index_cast %scan3A_206 : i32 to index
      %get3A_230 = arith.constant 16 : index
      %get3A_231 = tpu.vector_load %arg10[%get3A_229, %get3A_230] {strides = array<i32>} : memref<200x128xf32, #tpu.memory_space<vmem>>, vector<1x16xf32>,
      %get3A_232 = vector.shape_cast %get3A_231 : vector<1x16xf32> to vector<16xf32>
      %add3A_233 = arith.addf %mul3A_228, %get3A_232 : vector<16xf32>
      %swap3A_234 = arith.index_cast %scan3A_206 : i32 to index
      %swap3A_235 = arith.constant 16 : index
      %swap3A_236 = tpu.vector_load %arg7[%swap3A_234, %swap3A_235] {strides = array<i32>} : memref<200x128xf32, #tpu.memory_space<vmem>>, vector<1x16xf32>,
      %swap3A_237 = vector.shape_cast %swap3A_236 : vector<1x16xf32> to vector<16xf32>
      %swap3A_238 = vector.shape_cast %add3A_233 : vector<16xf32> to vector<1x16xf32>
      tpu.vector_store %arg7[%swap3A_234, %swap3A_235], %swap3A_238 {strides = array<i32>} : memref<200x128xf32, #tpu.memory_space<vmem>>, vector<1x16xf32>,
      %get3A_239 = arith.index_cast %scan3A_206 : i32 to index
      %get3A_240 = arith.constant 32 : index
      %get3A_241 = tpu.vector_load %arg7[%get3A_239, %get3A_240] {strides = array<i32>} : memref<200x128xf32, #tpu.memory_space<vmem>>, vector<1x16xf32>,
      %get3A_242 = vector.shape_cast %get3A_241 : vector<1x16xf32> to vector<16xf32>
      %mul3A_243 = arith.constant 11.3137083 : f32
      %mul3A_244 = vector.broadcast %mul3A_243 : f32 to vector<16xf32>
      %mul3A_245 = arith.mulf %get3A_242, %mul3A_244 : vector<16xf32>
      %get3A_246 = arith.index_cast %scan3A_206 : i32 to index
      %get3A_247 = arith.constant 32 : index
      %get3A_248 = tpu.vector_load %arg10[%get3A_246, %get3A_247] {strides = array<i32>} : memref<200x128xf32, #tpu.memory_space<vmem>>, vector<1x16xf32>,
      %get3A_249 = vector.shape_cast %get3A_248 : vector<1x16xf32> to vector<16xf32>
      %add3A_250 = arith.addf %mul3A_245, %get3A_249 : vector<16xf32>
      %swap3A_251 = arith.index_cast %scan3A_206 : i32 to index
      %swap3A_252 = arith.constant 32 : index
      %swap3A_253 = tpu.vector_load %arg7[%swap3A_251, %swap3A_252] {strides = array<i32>} : memref<200x128xf32, #tpu.memory_space<vmem>>, vector<1x16xf32>,
      %swap3A_254 = vector.shape_cast %swap3A_253 : vector<1x16xf32> to vector<16xf32>
      %swap3A_255 = vector.shape_cast %add3A_250 : vector<16xf32> to vector<1x16xf32>
      tpu.vector_store %arg7[%swap3A_251, %swap3A_252], %swap3A_255 {strides = array<i32>} : memref<200x128xf32, #tpu.memory_space<vmem>>, vector<1x16xf32>,
      %get3A_256 = arith.index_cast %scan3A_206 : i32 to index
      %get3A_257 = arith.constant 48 : index
      %get3A_258 = tpu.vector_load %arg7[%get3A_256, %get3A_257] {strides = array<i32>} : memref<200x128xf32, #tpu.memory_space<vmem>>, vector<1x16xf32>,
      %get3A_259 = vector.shape_cast %get3A_258 : vector<1x16xf32> to vector<16xf32>
      %mul3A_260 = arith.constant 11.3137083 : f32
      %mul3A_261 = vector.broadcast %mul3A_260 : f32 to vector<16xf32>
      %mul3A_262 = arith.mulf %get3A_259, %mul3A_261 : vector<16xf32>
      %get3A_263 = arith.index_cast %scan3A_206 : i32 to index
      %get3A_264 = arith.constant 48 : index
      %get3A_265 = tpu.vector_load %arg10[%get3A_263, %get3A_264] {strides = array<i32>} : memref<200x128xf32, #tpu.memory_space<vmem>>, vector<1x16xf32>,
      %get3A_266 = vector.shape_cast %get3A_265 : vector<1x16xf32> to vector<16xf32>
      %add3A_267 = arith.addf %mul3A_262, %get3A_266 : vector<16xf32>
      %swap3A_268 = arith.index_cast %scan3A_206 : i32 to index
      %swap3A_269 = arith.constant 48 : index
      %swap3A_270 = tpu.vector_load %arg7[%swap3A_268, %swap3A_269] {strides = array<i32>} : memref<200x128xf32, #tpu.memory_space<vmem>>, vector<1x16xf32>,
      %swap3A_271 = vector.shape_cast %swap3A_270 : vector<1x16xf32> to vector<16xf32>
      %swap3A_272 = vector.shape_cast %add3A_267 : vector<16xf32> to vector<1x16xf32>
      tpu.vector_store %arg7[%swap3A_268, %swap3A_269], %swap3A_272 {strides = array<i32>} : memref<200x128xf32, #tpu.memory_space<vmem>>, vector<1x16xf32>,
      %get3A_273 = arith.index_cast %scan3A_206 : i32 to index
      %get3A_274 = arith.constant 64 : index
      %get3A_275 = tpu.vector_load %arg7[%get3A_273, %get3A_274] {strides = array<i32>} : memref<200x128xf32, #tpu.memory_space<vmem>>, vector<1x16xf32>,
      %get3A_276 = vector.shape_cast %get3A_275 : vector<1x16xf32> to vector<16xf32>
      %mul3A_277 = arith.constant 11.3137083 : f32
      %mul3A_278 = vector.broadcast %mul3A_277 : f32 to vector<16xf32>
      %mul3A_279 = arith.mulf %get3A_276, %mul3A_278 : vector<16xf32>
      %get3A_280 = arith.index_cast %scan3A_206 : i32 to index
      %get3A_281 = arith.constant 64 : index
      %get3A_282 = tpu.vector_load %arg10[%get3A_280, %get3A_281] {strides = array<i32>} : memref<200x128xf32, #tpu.memory_space<vmem>>, vector<1x16xf32>,
      %get3A_283 = vector.shape_cast %get3A_282 : vector<1x16xf32> to vector<16xf32>
      %add3A_284 = arith.addf %mul3A_279, %get3A_283 : vector<16xf32>
      %swap3A_285 = arith.index_cast %scan3A_206 : i32 to index
      %swap3A_286 = arith.constant 64 : index
      %swap3A_287 = tpu.vector_load %arg7[%swap3A_285, %swap3A_286] {strides = array<i32>} : memref<200x128xf32, #tpu.memory_space<vmem>>, vector<1x16xf32>,
      %swap3A_288 = vector.shape_cast %swap3A_287 : vector<1x16xf32> to vector<16xf32>
      %swap3A_289 = vector.shape_cast %add3A_284 : vector<16xf32> to vector<1x16xf32>
      tpu.vector_store %arg7[%swap3A_285, %swap3A_286], %swap3A_289 {strides = array<i32>} : memref<200x128xf32, #tpu.memory_space<vmem>>, vector<1x16xf32>,
      %get3A_290 = arith.index_cast %scan3A_206 : i32 to index
      %get3A_291 = arith.constant 80 : index
      %get3A_292 = tpu.vector_load %arg7[%get3A_290, %get3A_291] {strides = array<i32>} : memref<200x128xf32, #tpu.memory_space<vmem>>, vector<1x16xf32>,
      %get3A_293 = vector.shape_cast %get3A_292 : vector<1x16xf32> to vector<16xf32>
      %mul3A_294 = arith.constant 11.3137083 : f32
      %mul3A_295 = vector.broadcast %mul3A_294 : f32 to vector<16xf32>
      %mul3A_296 = arith.mulf %get3A_293, %mul3A_295 : vector<16xf32>
      %get3A_297 = arith.index_cast %scan3A_206 : i32 to index
      %get3A_298 = arith.constant 80 : index
      %get3A_299 = tpu.vector_load %arg10[%get3A_297, %get3A_298] {strides = array<i32>} : memref<200x128xf32, #tpu.memory_space<vmem>>, vector<1x16xf32>,
      %get3A_300 = vector.shape_cast %get3A_299 : vector<1x16xf32> to vector<16xf32>
      %add3A_301 = arith.addf %mul3A_296, %get3A_300 : vector<16xf32>
      %swap3A_302 = arith.index_cast %scan3A_206 : i32 to index
      %swap3A_303 = arith.constant 80 : index
      %swap3A_304 = tpu.vector_load %arg7[%swap3A_302, %swap3A_303] {strides = array<i32>} : memref<200x128xf32, #tpu.memory_space<vmem>>, vector<1x16xf32>,
      %swap3A_305 = vector.shape_cast %swap3A_304 : vector<1x16xf32> to vector<16xf32>
      %swap3A_306 = vector.shape_cast %add3A_301 : vector<16xf32> to vector<1x16xf32>
      tpu.vector_store %arg7[%swap3A_302, %swap3A_303], %swap3A_306 {strides = array<i32>} : memref<200x128xf32, #tpu.memory_space<vmem>>, vector<1x16xf32>,
      %get3A_307 = arith.index_cast %scan3A_206 : i32 to index
      %get3A_308 = arith.constant 96 : index
      %get3A_309 = tpu.vector_load %arg7[%get3A_307, %get3A_308] {strides = array<i32>} : memref<200x128xf32, #tpu.memory_space<vmem>>, vector<1x16xf32>,
      %get3A_310 = vector.shape_cast %get3A_309 : vector<1x16xf32> to vector<16xf32>
      %mul3A_311 = arith.constant 11.3137083 : f32
      %mul3A_312 = vector.broadcast %mul3A_311 : f32 to vector<16xf32>
      %mul3A_313 = arith.mulf %get3A_310, %mul3A_312 : vector<16xf32>
      %get3A_314 = arith.index_cast %scan3A_206 : i32 to index
      %get3A_315 = arith.constant 96 : index
      %get3A_316 = tpu.vector_load %arg10[%get3A_314, %get3A_315] {strides = array<i32>} : memref<200x128xf32, #tpu.memory_space<vmem>>, vector<1x16xf32>,
      %get3A_317 = vector.shape_cast %get3A_316 : vector<1x16xf32> to vector<16xf32>
      %add3A_318 = arith.addf %mul3A_313, %get3A_317 : vector<16xf32>
      %swap3A_319 = arith.index_cast %scan3A_206 : i32 to index
      %swap3A_320 = arith.constant 96 : index
      %swap3A_321 = tpu.vector_load %arg7[%swap3A_319, %swap3A_320] {strides = array<i32>} : memref<200x128xf32, #tpu.memory_space<vmem>>, vector<1x16xf32>,
      %swap3A_322 = vector.shape_cast %swap3A_321 : vector<1x16xf32> to vector<16xf32>
      %swap3A_323 = vector.shape_cast %add3A_318 : vector<16xf32> to vector<1x16xf32>
      tpu.vector_store %arg7[%swap3A_319, %swap3A_320], %swap3A_323 {strides = array<i32>} : memref<200x128xf32, #tpu.memory_space<vmem>>, vector<1x16xf32>,
      %get3A_324 = arith.index_cast %scan3A_206 : i32 to index
      %get3A_325 = arith.constant 112 : index
      %get3A_326 = tpu.vector_load %arg7[%get3A_324, %get3A_325] {strides = array<i32>} : memref<200x128xf32, #tpu.memory_space<vmem>>, vector<1x16xf32>,
      %get3A_327 = vector.shape_cast %get3A_326 : vector<1x16xf32> to vector<16xf32>
      %mul3A_328 = arith.constant 11.3137083 : f32
      %mul3A_329 = vector.broadcast %mul3A_328 : f32 to vector<16xf32>
      %mul3A_330 = arith.mulf %get3A_327, %mul3A_329 : vector<16xf32>
      %get3A_331 = arith.index_cast %scan3A_206 : i32 to index
      %get3A_332 = arith.constant 112 : index
      %get3A_333 = tpu.vector_load %arg10[%get3A_331, %get3A_332] {strides = array<i32>} : memref<200x128xf32, #tpu.memory_space<vmem>>, vector<1x16xf32>,
      %get3A_334 = vector.shape_cast %get3A_333 : vector<1x16xf32> to vector<16xf32>
      %add3A_335 = arith.addf %mul3A_330, %get3A_334 : vector<16xf32>
      %swap3A_336 = arith.index_cast %scan3A_206 : i32 to index
      %swap3A_337 = arith.constant 112 : index
      %swap3A_338 = tpu.vector_load %arg7[%swap3A_336, %swap3A_337] {strides = array<i32>} : memref<200x128xf32, #tpu.memory_space<vmem>>, vector<1x16xf32>,
      %swap3A_339 = vector.shape_cast %swap3A_338 : vector<1x16xf32> to vector<16xf32>
      %swap3A_340 = vector.shape_cast %add3A_335 : vector<16xf32> to vector<1x16xf32>
      tpu.vector_store %arg7[%swap3A_336, %swap3A_337], %swap3A_340 {strides = array<i32>} : memref<200x128xf32, #tpu.memory_space<vmem>>, vector<1x16xf32>,
    }
    %scan3A_43 = arith.constant 200 : i32
    %add3A_44 = arith.constant 0 : i32
    %add3A_45 = arith.addi %mul3A_2, %add3A_44 : i32
    %dma_start3A_46 = arith.constant 0 : i32
    %dma_start3A_47 = tpu.memref_slice %arg5[%add3A_45, %dma_start3A_46] : memref<204800x128xf32, #tpu.memory_space<hbm>> -> memref<200x128xf32, #tpu.memory_space<hbm>>
    %dma_start3A_48 = arith.constant 0 : i32
    %dma_start3A_49 = tpu.memref_slice %arg5[%add3A_45, %dma_start3A_48] : memref<204800x128xf32, #tpu.memory_space<hbm>> -> memref<200x128xf32, #tpu.memory_space<hbm>>
    tpu.enqueue_dma source(%arg7 : memref<200x128xf32, #tpu.memory_space<vmem>>) target(%dma_start3A_49 : memref<200x128xf32, #tpu.memory_space<hbm>>) target_semaphore(%arg14 : memref<!tpu.dma_semaphore, #tpu.memory_space<semaphore_mem>>)
    %dma_start3A_50 = arith.constant 0 : i32
    %dma_start3A_51 = arith.constant 0 : i32
    %dma_start3A_52 = tpu.memref_slice %arg9[%dma_start3A_50, %dma_start3A_51] : memref<200x128xf32, #tpu.memory_space<vmem>> -> memref<96x128xf32, #tpu.memory_space<vmem>>
    %dma_start3A_53 = arith.constant 400 : i32
    %dma_start3A_54 = tpu.memref_slice %arg6[%dma_start3A_53] : memref<6400xi32, #tpu.memory_space<vmem>> -> memref<96xi32, #tpu.memory_space<vmem>>
    %dma_start3A_55 = arith.constant 0 : i32
    %dma_start3A_56 = arith.constant 0 : i32
    %dma_start3A_57 = tpu.memref_slice %arg2[%dma_start3A_55, %dma_start3A_56] : memref<100000x128xf32, #tpu.memory_space<hbm>> -> memref<100000x128xf32, #tpu.memory_space<hbm>>
    tpu.enqueue_indirect_dma source(%dma_start3A_57 : memref<100000x128xf32, #tpu.memory_space<hbm>>) target(%dma_start3A_52 : memref<96x128xf32, #tpu.memory_space<vmem>>) offsets(%dma_start3A_54 : memref<96xi32, #tpu.memory_space<vmem>>) semaphore(%arg13 : memref<!tpu.dma_semaphore, #tpu.memory_space<semaphore_mem>>)
    %dma_start3A_58 = arith.constant 96 : i32
    %dma_start3A_59 = arith.constant 0 : i32
    %dma_start3A_60 = tpu.memref_slice %arg9[%dma_start3A_58, %dma_start3A_59] : memref<200x128xf32, #tpu.memory_space<vmem>> -> memref<104x128xf32, #tpu.memory_space<vmem>>
    %dma_start3A_61 = arith.constant 496 : i32
    %dma_start3A_62 = tpu.memref_slice %arg6[%dma_start3A_61] : memref<6400xi32, #tpu.memory_space<vmem>> -> memref<104xi32, #tpu.memory_space<vmem>>
    %dma_start3A_63 = arith.constant 0 : i32
    %dma_start3A_64 = arith.constant 0 : i32
    %dma_start3A_65 = tpu.memref_slice %arg2[%dma_start3A_63, %dma_start3A_64] : memref<100000x128xf32, #tpu.memory_space<hbm>> -> memref<100000x128xf32, #tpu.memory_space<hbm>>
    tpu.enqueue_indirect_dma source(%dma_start3A_65 : memref<100000x128xf32, #tpu.memory_space<hbm>>) target(%dma_start3A_60 : memref<104x128xf32, #tpu.memory_space<vmem>>) offsets(%dma_start3A_62 : memref<104xi32, #tpu.memory_space<vmem>>) semaphore(%arg13 : memref<!tpu.dma_semaphore, #tpu.memory_space<semaphore_mem>>)
    %scan3A_66 = arith.constant 0 : i32
    %scan3A_67 = arith.constant 0 : i32
    %scan3A_68 = arith.constant 9 : i32
    %scan3A_69 = arith.addi %scan3A_67, %scan3A_68 : i32
    %scan3A_70 = arith.constant 1 : i32
    scf.for %scan3A_206 = %scan3A_67 to %scan3A_69 step %scan3A_70  : i32 {
      %mul3A_207 = arith.constant 3 : i32
      %mul3A_208 = arith.muli %scan3A_206, %mul3A_207 : i32
      %add3A_209 = arith.constant 1 : i32
      %add3A_210 = arith.addi %add3A_209, %mul3A_208 : i32
      %add3A_211 = arith.constant 0 : i32
      %add3A_212 = arith.addi %add3A_210, %add3A_211 : i32
      %dma_wait3A_213 = arith.constant 0 : i32
      %dma_wait3A_214 = arith.constant 0 : i32
      %dma_wait3A_215 = tpu.memref_slice %arg2[%dma_wait3A_213, %dma_wait3A_214] : memref<100000x128xf32, #tpu.memory_space<hbm>> -> memref<200x128xf32, #tpu.memory_space<hbm>>
      %dma_wait3A_216 = arith.constant 0 : i32
      %dma_wait3A_217 = arith.constant 0 : i32
      %dma_wait3A_218 = tpu.memref_slice %arg2[%dma_wait3A_216, %dma_wait3A_217] : memref<100000x128xf32, #tpu.memory_space<hbm>> -> memref<200x128xf32, #tpu.memory_space<hbm>>
      tpu.wait_dma2 semaphore(%arg12 : memref<!tpu.dma_semaphore, #tpu.memory_space<semaphore_mem>>) src(%dma_wait3A_218 : memref<200x128xf32, #tpu.memory_space<hbm>>) dst(%arg8 : memref<200x128xf32, #tpu.memory_space<vmem>>)
      %scan3A_219 = arith.constant 0 : i32
      %scan3A_220 = arith.constant 0 : i32
      %scan3A_221 = arith.constant 200 : i32
      %scan3A_222 = arith.addi %scan3A_220, %scan3A_221 : i32
      %scan3A_223 = arith.constant 1 : i32
      scf.for %scan3A_360 = %scan3A_220 to %scan3A_222 step %scan3A_223  : i32 {
        %get3A = arith.index_cast %scan3A_360 : i32 to index
        %get3A_361 = arith.constant 0 : index
        %get3A_362 = tpu.vector_load %arg8[%get3A, %get3A_361] {strides = array<i32>} : memref<200x128xf32, #tpu.memory_space<vmem>>, vector<1x16xf32>,
        %get3A_363 = vector.shape_cast %get3A_362 : vector<1x16xf32> to vector<16xf32>
        %mul3A_364 = arith.constant 11.3137083 : f32
        %mul3A_365 = vector.broadcast %mul3A_364 : f32 to vector<16xf32>
        %mul3A_366 = arith.mulf %get3A_363, %mul3A_365 : vector<16xf32>
        %get3A_367 = arith.index_cast %scan3A_360 : i32 to index
        %get3A_368 = arith.constant 0 : index
        %get3A_369 = tpu.vector_load %arg10[%get3A_367, %get3A_368] {strides = array<i32>} : memref<200x128xf32, #tpu.memory_space<vmem>>, vector<1x16xf32>,
        %get3A_370 = vector.shape_cast %get3A_369 : vector<1x16xf32> to vector<16xf32>
        %add3A_371 = arith.addf %mul3A_366, %get3A_370 : vector<16xf32>
        %swap3A = arith.index_cast %scan3A_360 : i32 to index
        %swap3A_372 = arith.constant 0 : index
        %swap3A_373 = tpu.vector_load %arg8[%swap3A, %swap3A_372] {strides = array<i32>} : memref<200x128xf32, #tpu.memory_space<vmem>>, vector<1x16xf32>,
        %swap3A_374 = vector.shape_cast %swap3A_373 : vector<1x16xf32> to vector<16xf32>
        %swap3A_375 = vector.shape_cast %add3A_371 : vector<16xf32> to vector<1x16xf32>
        tpu.vector_store %arg8[%swap3A, %swap3A_372], %swap3A_375 {strides = array<i32>} : memref<200x128xf32, #tpu.memory_space<vmem>>, vector<1x16xf32>,
        %get3A_376 = arith.index_cast %scan3A_360 : i32 to index
        %get3A_377 = arith.constant 16 : index
        %get3A_378 = tpu.vector_load %arg8[%get3A_376, %get3A_377] {strides = array<i32>} : memref<200x128xf32, #tpu.memory_space<vmem>>, vector<1x16xf32>,
        %get3A_379 = vector.shape_cast %get3A_378 : vector<1x16xf32> to vector<16xf32>
        %mul3A_380 = arith.constant 11.3137083 : f32
        %mul3A_381 = vector.broadcast %mul3A_380 : f32 to vector<16xf32>
        %mul3A_382 = arith.mulf %get3A_379, %mul3A_381 : vector<16xf32>
        %get3A_383 = arith.index_cast %scan3A_360 : i32 to index
        %get3A_384 = arith.constant 16 : index
        %get3A_385 = tpu.vector_load %arg10[%get3A_383, %get3A_384] {strides = array<i32>} : memref<200x128xf32, #tpu.memory_space<vmem>>, vector<1x16xf32>,
        %get3A_386 = vector.shape_cast %get3A_385 : vector<1x16xf32> to vector<16xf32>
        %add3A_387 = arith.addf %mul3A_382, %get3A_386 : vector<16xf32>
        %swap3A_388 = arith.index_cast %scan3A_360 : i32 to index
        %swap3A_389 = arith.constant 16 : index
        %swap3A_390 = tpu.vector_load %arg8[%swap3A_388, %swap3A_389] {strides = array<i32>} : memref<200x128xf32, #tpu.memory_space<vmem>>, vector<1x16xf32>,
        %swap3A_391 = vector.shape_cast %swap3A_390 : vector<1x16xf32> to vector<16xf32>
        %swap3A_392 = vector.shape_cast %add3A_387 : vector<16xf32> to vector<1x16xf32>
        tpu.vector_store %arg8[%swap3A_388, %swap3A_389], %swap3A_392 {strides = array<i32>} : memref<200x128xf32, #tpu.memory_space<vmem>>, vector<1x16xf32>,
        %get3A_393 = arith.index_cast %scan3A_360 : i32 to index
        %get3A_394 = arith.constant 32 : index
        %get3A_395 = tpu.vector_load %arg8[%get3A_393, %get3A_394] {strides = array<i32>} : memref<200x128xf32, #tpu.memory_space<vmem>>, vector<1x16xf32>,
        %get3A_396 = vector.shape_cast %get3A_395 : vector<1x16xf32> to vector<16xf32>
        %mul3A_397 = arith.constant 11.3137083 : f32
        %mul3A_398 = vector.broadcast %mul3A_397 : f32 to vector<16xf32>
        %mul3A_399 = arith.mulf %get3A_396, %mul3A_398 : vector<16xf32>
        %get3A_400 = arith.index_cast %scan3A_360 : i32 to index
        %get3A_401 = arith.constant 32 : index
        %get3A_402 = tpu.vector_load %arg10[%get3A_400, %get3A_401] {strides = array<i32>} : memref<200x128xf32, #tpu.memory_space<vmem>>, vector<1x16xf32>,
        %get3A_403 = vector.shape_cast %get3A_402 : vector<1x16xf32> to vector<16xf32>
        %add3A_404 = arith.addf %mul3A_399, %get3A_403 : vector<16xf32>
        %swap3A_405 = arith.index_cast %scan3A_360 : i32 to index
        %swap3A_406 = arith.constant 32 : index
        %swap3A_407 = tpu.vector_load %arg8[%swap3A_405, %swap3A_406] {strides = array<i32>} : memref<200x128xf32, #tpu.memory_space<vmem>>, vector<1x16xf32>,
        %swap3A_408 = vector.shape_cast %swap3A_407 : vector<1x16xf32> to vector<16xf32>
        %swap3A_409 = vector.shape_cast %add3A_404 : vector<16xf32> to vector<1x16xf32>
        tpu.vector_store %arg8[%swap3A_405, %swap3A_406], %swap3A_409 {strides = array<i32>} : memref<200x128xf32, #tpu.memory_space<vmem>>, vector<1x16xf32>,
        %get3A_410 = arith.index_cast %scan3A_360 : i32 to index
        %get3A_411 = arith.constant 48 : index
        %get3A_412 = tpu.vector_load %arg8[%get3A_410, %get3A_411] {strides = array<i32>} : memref<200x128xf32, #tpu.memory_space<vmem>>, vector<1x16xf32>,
        %get3A_413 = vector.shape_cast %get3A_412 : vector<1x16xf32> to vector<16xf32>
        %mul3A_414 = arith.constant 11.3137083 : f32
        %mul3A_415 = vector.broadcast %mul3A_414 : f32 to vector<16xf32>
        %mul3A_416 = arith.mulf %get3A_413, %mul3A_415 : vector<16xf32>
        %get3A_417 = arith.index_cast %scan3A_360 : i32 to index
        %get3A_418 = arith.constant 48 : index
        %get3A_419 = tpu.vector_load %arg10[%get3A_417, %get3A_418] {strides = array<i32>} : memref<200x128xf32, #tpu.memory_space<vmem>>, vector<1x16xf32>,
        %get3A_420 = vector.shape_cast %get3A_419 : vector<1x16xf32> to vector<16xf32>
        %add3A_421 = arith.addf %mul3A_416, %get3A_420 : vector<16xf32>
        %swap3A_422 = arith.index_cast %scan3A_360 : i32 to index
        %swap3A_423 = arith.constant 48 : index
        %swap3A_424 = tpu.vector_load %arg8[%swap3A_422, %swap3A_423] {strides = array<i32>} : memref<200x128xf32, #tpu.memory_space<vmem>>, vector<1x16xf32>,
        %swap3A_425 = vector.shape_cast %swap3A_424 : vector<1x16xf32> to vector<16xf32>
        %swap3A_426 = vector.shape_cast %add3A_421 : vector<16xf32> to vector<1x16xf32>
        tpu.vector_store %arg8[%swap3A_422, %swap3A_423], %swap3A_426 {strides = array<i32>} : memref<200x128xf32, #tpu.memory_space<vmem>>, vector<1x16xf32>,
        %get3A_427 = arith.index_cast %scan3A_360 : i32 to index
        %get3A_428 = arith.constant 64 : index
        %get3A_429 = tpu.vector_load %arg8[%get3A_427, %get3A_428] {strides = array<i32>} : memref<200x128xf32, #tpu.memory_space<vmem>>, vector<1x16xf32>,
        %get3A_430 = vector.shape_cast %get3A_429 : vector<1x16xf32> to vector<16xf32>
        %mul3A_431 = arith.constant 11.3137083 : f32
        %mul3A_432 = vector.broadcast %mul3A_431 : f32 to vector<16xf32>
        %mul3A_433 = arith.mulf %get3A_430, %mul3A_432 : vector<16xf32>
        %get3A_434 = arith.index_cast %scan3A_360 : i32 to index
        %get3A_435 = arith.constant 64 : index
        %get3A_436 = tpu.vector_load %arg10[%get3A_434, %get3A_435] {strides = array<i32>} : memref<200x128xf32, #tpu.memory_space<vmem>>, vector<1x16xf32>,
        %get3A_437 = vector.shape_cast %get3A_436 : vector<1x16xf32> to vector<16xf32>
        %add3A_438 = arith.addf %mul3A_433, %get3A_437 : vector<16xf32>
        %swap3A_439 = arith.index_cast %scan3A_360 : i32 to index
        %swap3A_440 = arith.constant 64 : index
        %swap3A_441 = tpu.vector_load %arg8[%swap3A_439, %swap3A_440] {strides = array<i32>} : memref<200x128xf32, #tpu.memory_space<vmem>>, vector<1x16xf32>,
        %swap3A_442 = vector.shape_cast %swap3A_441 : vector<1x16xf32> to vector<16xf32>
        %swap3A_443 = vector.shape_cast %add3A_438 : vector<16xf32> to vector<1x16xf32>
        tpu.vector_store %arg8[%swap3A_439, %swap3A_440], %swap3A_443 {strides = array<i32>} : memref<200x128xf32, #tpu.memory_space<vmem>>, vector<1x16xf32>,
        %get3A_444 = arith.index_cast %scan3A_360 : i32 to index
        %get3A_445 = arith.constant 80 : index
        %get3A_446 = tpu.vector_load %arg8[%get3A_444, %get3A_445] {strides = array<i32>} : memref<200x128xf32, #tpu.memory_space<vmem>>, vector<1x16xf32>,
        %get3A_447 = vector.shape_cast %get3A_446 : vector<1x16xf32> to vector<16xf32>
        %mul3A_448 = arith.constant 11.3137083 : f32
        %mul3A_449 = vector.broadcast %mul3A_448 : f32 to vector<16xf32>
        %mul3A_450 = arith.mulf %get3A_447, %mul3A_449 : vector<16xf32>
        %get3A_451 = arith.index_cast %scan3A_360 : i32 to index
        %get3A_452 = arith.constant 80 : index
        %get3A_453 = tpu.vector_load %arg10[%get3A_451, %get3A_452] {strides = array<i32>} : memref<200x128xf32, #tpu.memory_space<vmem>>, vector<1x16xf32>,
        %get3A_454 = vector.shape_cast %get3A_453 : vector<1x16xf32> to vector<16xf32>
        %add3A_455 = arith.addf %mul3A_450, %get3A_454 : vector<16xf32>
        %swap3A_456 = arith.index_cast %scan3A_360 : i32 to index
        %swap3A_457 = arith.constant 80 : index
        %swap3A_458 = tpu.vector_load %arg8[%swap3A_456, %swap3A_457] {strides = array<i32>} : memref<200x128xf32, #tpu.memory_space<vmem>>, vector<1x16xf32>,
        %swap3A_459 = vector.shape_cast %swap3A_458 : vector<1x16xf32> to vector<16xf32>
        %swap3A_460 = vector.shape_cast %add3A_455 : vector<16xf32> to vector<1x16xf32>
        tpu.vector_store %arg8[%swap3A_456, %swap3A_457], %swap3A_460 {strides = array<i32>} : memref<200x128xf32, #tpu.memory_space<vmem>>, vector<1x16xf32>,
        %get3A_461 = arith.index_cast %scan3A_360 : i32 to index
        %get3A_462 = arith.constant 96 : index
        %get3A_463 = tpu.vector_load %arg8[%get3A_461, %get3A_462] {strides = array<i32>} : memref<200x128xf32, #tpu.memory_space<vmem>>, vector<1x16xf32>,
        %get3A_464 = vector.shape_cast %get3A_463 : vector<1x16xf32> to vector<16xf32>
        %mul3A_465 = arith.constant 11.3137083 : f32
        %mul3A_466 = vector.broadcast %mul3A_465 : f32 to vector<16xf32>
        %mul3A_467 = arith.mulf %get3A_464, %mul3A_466 : vector<16xf32>
        %get3A_468 = arith.index_cast %scan3A_360 : i32 to index
        %get3A_469 = arith.constant 96 : index
        %get3A_470 = tpu.vector_load %arg10[%get3A_468, %get3A_469] {strides = array<i32>} : memref<200x128xf32, #tpu.memory_space<vmem>>, vector<1x16xf32>,
        %get3A_471 = vector.shape_cast %get3A_470 : vector<1x16xf32> to vector<16xf32>
        %add3A_472 = arith.addf %mul3A_467, %get3A_471 : vector<16xf32>
        %swap3A_473 = arith.index_cast %scan3A_360 : i32 to index
        %swap3A_474 = arith.constant 96 : index
        %swap3A_475 = tpu.vector_load %arg8[%swap3A_473, %swap3A_474] {strides = array<i32>} : memref<200x128xf32, #tpu.memory_space<vmem>>, vector<1x16xf32>,
        %swap3A_476 = vector.shape_cast %swap3A_475 : vector<1x16xf32> to vector<16xf32>
        %swap3A_477 = vector.shape_cast %add3A_472 : vector<16xf32> to vector<1x16xf32>
        tpu.vector_store %arg8[%swap3A_473, %swap3A_474], %swap3A_477 {strides = array<i32>} : memref<200x128xf32, #tpu.memory_space<vmem>>, vector<1x16xf32>,
        %get3A_478 = arith.index_cast %scan3A_360 : i32 to index
        %get3A_479 = arith.constant 112 : index
        %get3A_480 = tpu.vector_load %arg8[%get3A_478, %get3A_479] {strides = array<i32>} : memref<200x128xf32, #tpu.memory_space<vmem>>, vector<1x16xf32>,
        %get3A_481 = vector.shape_cast %get3A_480 : vector<1x16xf32> to vector<16xf32>
        %mul3A_482 = arith.constant 11.3137083 : f32
        %mul3A_483 = vector.broadcast %mul3A_482 : f32 to vector<16xf32>
        %mul3A_484 = arith.mulf %get3A_481, %mul3A_483 : vector<16xf32>
        %get3A_485 = arith.index_cast %scan3A_360 : i32 to index
        %get3A_486 = arith.constant 112 : index
        %get3A_487 = tpu.vector_load %arg10[%get3A_485, %get3A_486] {strides = array<i32>} : memref<200x128xf32, #tpu.memory_space<vmem>>, vector<1x16xf32>,
        %get3A_488 = vector.shape_cast %get3A_487 : vector<1x16xf32> to vector<16xf32>
        %add3A_489 = arith.addf %mul3A_484, %get3A_488 : vector<16xf32>
        %swap3A_490 = arith.index_cast %scan3A_360 : i32 to index
        %swap3A_491 = arith.constant 112 : index
        %swap3A_492 = tpu.vector_load %arg8[%swap3A_490, %swap3A_491] {strides = array<i32>} : memref<200x128xf32, #tpu.memory_space<vmem>>, vector<1x16xf32>,
        %swap3A_493 = vector.shape_cast %swap3A_492 : vector<1x16xf32> to vector<16xf32>
        %swap3A_494 = vector.shape_cast %add3A_489 : vector<16xf32> to vector<1x16xf32>
        tpu.vector_store %arg8[%swap3A_490, %swap3A_491], %swap3A_494 {strides = array<i32>} : memref<200x128xf32, #tpu.memory_space<vmem>>, vector<1x16xf32>,
      }
      %scan3A_224 = arith.constant 200 : i32
      %mul3A_225 = arith.constant 200 : i32
      %mul3A_226 = arith.muli %add3A_212, %mul3A_225 : i32
      %add3A_227 = arith.addi %mul3A_2, %mul3A_226 : i32
      %dma_start3A_228 = arith.constant 0 : i32
      %dma_start3A_229 = tpu.memref_slice %arg5[%add3A_227, %dma_start3A_228] : memref<204800x128xf32, #tpu.memory_space<hbm>> -> memref<200x128xf32, #tpu.memory_space<hbm>>
      %dma_start3A_230 = arith.constant 0 : i32
      %dma_start3A_231 = tpu.memref_slice %arg5[%add3A_227, %dma_start3A_230] : memref<204800x128xf32, #tpu.memory_space<hbm>> -> memref<200x128xf32, #tpu.memory_space<hbm>>
      tpu.enqueue_dma source(%arg8 : memref<200x128xf32, #tpu.memory_space<vmem>>) target(%dma_start3A_231 : memref<200x128xf32, #tpu.memory_space<hbm>>) target_semaphore(%arg15 : memref<!tpu.dma_semaphore, #tpu.memory_space<semaphore_mem>>)
      %dma_wait3A_232 = arith.constant 0 : i32
      %dma_wait3A_233 = arith.constant 0 : i32
      %dma_wait3A_234 = tpu.memref_slice %arg5[%dma_wait3A_232, %dma_wait3A_233] : memref<204800x128xf32, #tpu.memory_space<hbm>> -> memref<200x128xf32, #tpu.memory_space<hbm>>
      %dma_wait3A_235 = arith.constant 0 : i32
      %dma_wait3A_236 = arith.constant 0 : i32
      %dma_wait3A_237 = tpu.memref_slice %arg5[%dma_wait3A_235, %dma_wait3A_236] : memref<204800x128xf32, #tpu.memory_space<hbm>> -> memref<200x128xf32, #tpu.memory_space<hbm>>
      tpu.wait_dma2 semaphore(%arg14 : memref<!tpu.dma_semaphore, #tpu.memory_space<semaphore_mem>>) src(%arg7 : memref<200x128xf32, #tpu.memory_space<vmem>>) dst(%dma_wait3A_237 : memref<200x128xf32, #tpu.memory_space<hbm>>)
      %add3A_238 = arith.constant 2 : i32
      %add3A_239 = arith.addi %add3A_212, %add3A_238 : i32
      %mul3A_240 = arith.constant 200 : i32
      %mul3A_241 = arith.muli %add3A_239, %mul3A_240 : i32
      %dma_start3A_242 = arith.constant 0 : i32
      %dma_start3A_243 = arith.constant 0 : i32
      %dma_start3A_244 = tpu.memref_slice %arg7[%dma_start3A_242, %dma_start3A_243] : memref<200x128xf32, #tpu.memory_space<vmem>> -> memref<96x128xf32, #tpu.memory_space<vmem>>
      %dma_start3A_245 = tpu.memref_slice %arg6[%mul3A_241] : memref<6400xi32, #tpu.memory_space<vmem>> -> memref<96xi32, #tpu.memory_space<vmem>>
      %dma_start3A_246 = arith.constant 0 : i32
      %dma_start3A_247 = arith.constant 0 : i32
      %dma_start3A_248 = tpu.memref_slice %arg2[%dma_start3A_246, %dma_start3A_247] : memref<100000x128xf32, #tpu.memory_space<hbm>> -> memref<100000x128xf32, #tpu.memory_space<hbm>>
      tpu.enqueue_indirect_dma source(%dma_start3A_248 : memref<100000x128xf32, #tpu.memory_space<hbm>>) target(%dma_start3A_244 : memref<96x128xf32, #tpu.memory_space<vmem>>) offsets(%dma_start3A_245 : memref<96xi32, #tpu.memory_space<vmem>>) semaphore(%arg11 : memref<!tpu.dma_semaphore, #tpu.memory_space<semaphore_mem>>)
      %add3A_249 = arith.constant 96 : i32
      %add3A_250 = arith.addi %mul3A_241, %add3A_249 : i32
      %dma_start3A_251 = arith.constant 96 : i32
      %dma_start3A_252 = arith.constant 0 : i32
      %dma_start3A_253 = tpu.memref_slice %arg7[%dma_start3A_251, %dma_start3A_252] : memref<200x128xf32, #tpu.memory_space<vmem>> -> memref<104x128xf32, #tpu.memory_space<vmem>>
      %dma_start3A_254 = tpu.memref_slice %arg6[%add3A_250] : memref<6400xi32, #tpu.memory_space<vmem>> -> memref<104xi32, #tpu.memory_space<vmem>>
      %dma_start3A_255 = arith.constant 0 : i32
      %dma_start3A_256 = arith.constant 0 : i32
      %dma_start3A_257 = tpu.memref_slice %arg2[%dma_start3A_255, %dma_start3A_256] : memref<100000x128xf32, #tpu.memory_space<hbm>> -> memref<100000x128xf32, #tpu.memory_space<hbm>>
      tpu.enqueue_indirect_dma source(%dma_start3A_257 : memref<100000x128xf32, #tpu.memory_space<hbm>>) target(%dma_start3A_253 : memref<104x128xf32, #tpu.memory_space<vmem>>) offsets(%dma_start3A_254 : memref<104xi32, #tpu.memory_space<vmem>>) semaphore(%arg11 : memref<!tpu.dma_semaphore, #tpu.memory_space<semaphore_mem>>)
      %mul3A_258 = arith.constant 3 : i32
      %mul3A_259 = arith.muli %scan3A_206, %mul3A_258 : i32
      %add3A_260 = arith.constant 1 : i32
      %add3A_261 = arith.addi %add3A_260, %mul3A_259 : i32
      %add3A_262 = arith.constant 1 : i32
      %add3A_263 = arith.addi %add3A_261, %add3A_262 : i32
      %dma_wait3A_264 = arith.constant 0 : i32
      %dma_wait3A_265 = arith.constant 0 : i32
      %dma_wait3A_266 = tpu.memref_slice %arg2[%dma_wait3A_264, %dma_wait3A_265] : memref<100000x128xf32, #tpu.memory_space<hbm>> -> memref<200x128xf32, #tpu.memory_space<hbm>>
      %dma_wait3A_267 = arith.constant 0 : i32
      %dma_wait3A_268 = arith.constant 0 : i32
      %dma_wait3A_269 = tpu.memref_slice %arg2[%dma_wait3A_267, %dma_wait3A_268] : memref<100000x128xf32, #tpu.memory_space<hbm>> -> memref<200x128xf32, #tpu.memory_space<hbm>>
      tpu.wait_dma2 semaphore(%arg13 : memref<!tpu.dma_semaphore, #tpu.memory_space<semaphore_mem>>) src(%dma_wait3A_269 : memref<200x128xf32, #tpu.memory_space<hbm>>) dst(%arg9 : memref<200x128xf32, #tpu.memory_space<vmem>>)
      %scan3A_270 = arith.constant 0 : i32
      %scan3A_271 = arith.constant 0 : i32
      %scan3A_272 = arith.constant 200 : i32
      %scan3A_273 = arith.addi %scan3A_271, %scan3A_272 : i32
      %scan3A_274 = arith.constant 1 : i32
      scf.for %scan3A_360 = %scan3A_271 to %scan3A_273 step %scan3A_274  : i32 {
        %get3A = arith.index_cast %scan3A_360 : i32 to index
        %get3A_361 = arith.constant 0 : index
        %get3A_362 = tpu.vector_load %arg9[%get3A, %get3A_361] {strides = array<i32>} : memref<200x128xf32, #tpu.memory_space<vmem>>, vector<1x16xf32>,
        %get3A_363 = vector.shape_cast %get3A_362 : vector<1x16xf32> to vector<16xf32>
        %mul3A_364 = arith.constant 11.3137083 : f32
        %mul3A_365 = vector.broadcast %mul3A_364 : f32 to vector<16xf32>
        %mul3A_366 = arith.mulf %get3A_363, %mul3A_365 : vector<16xf32>
        %get3A_367 = arith.index_cast %scan3A_360 : i32 to index
        %get3A_368 = arith.constant 0 : index
        %get3A_369 = tpu.vector_load %arg10[%get3A_367, %get3A_368] {strides = array<i32>} : memref<200x128xf32, #tpu.memory_space<vmem>>, vector<1x16xf32>,
        %get3A_370 = vector.shape_cast %get3A_369 : vector<1x16xf32> to vector<16xf32>
        %add3A_371 = arith.addf %mul3A_366, %get3A_370 : vector<16xf32>
        %swap3A = arith.index_cast %scan3A_360 : i32 to index
        %swap3A_372 = arith.constant 0 : index
        %swap3A_373 = tpu.vector_load %arg9[%swap3A, %swap3A_372] {strides = array<i32>} : memref<200x128xf32, #tpu.memory_space<vmem>>, vector<1x16xf32>,
        %swap3A_374 = vector.shape_cast %swap3A_373 : vector<1x16xf32> to vector<16xf32>
        %swap3A_375 = vector.shape_cast %add3A_371 : vector<16xf32> to vector<1x16xf32>
        tpu.vector_store %arg9[%swap3A, %swap3A_372], %swap3A_375 {strides = array<i32>} : memref<200x128xf32, #tpu.memory_space<vmem>>, vector<1x16xf32>,
        %get3A_376 = arith.index_cast %scan3A_360 : i32 to index
        %get3A_377 = arith.constant 16 : index
        %get3A_378 = tpu.vector_load %arg9[%get3A_376, %get3A_377] {strides = array<i32>} : memref<200x128xf32, #tpu.memory_space<vmem>>, vector<1x16xf32>,
        %get3A_379 = vector.shape_cast %get3A_378 : vector<1x16xf32> to vector<16xf32>
        %mul3A_380 = arith.constant 11.3137083 : f32
        %mul3A_381 = vector.broadcast %mul3A_380 : f32 to vector<16xf32>
        %mul3A_382 = arith.mulf %get3A_379, %mul3A_381 : vector<16xf32>
        %get3A_383 = arith.index_cast %scan3A_360 : i32 to index
        %get3A_384 = arith.constant 16 : index
        %get3A_385 = tpu.vector_load %arg10[%get3A_383, %get3A_384] {strides = array<i32>} : memref<200x128xf32, #tpu.memory_space<vmem>>, vector<1x16xf32>,
        %get3A_386 = vector.shape_cast %get3A_385 : vector<1x16xf32> to vector<16xf32>
        %add3A_387 = arith.addf %mul3A_382, %get3A_386 : vector<16xf32>
        %swap3A_388 = arith.index_cast %scan3A_360 : i32 to index
        %swap3A_389 = arith.constant 16 : index
        %swap3A_390 = tpu.vector_load %arg9[%swap3A_388, %swap3A_389] {strides = array<i32>} : memref<200x128xf32, #tpu.memory_space<vmem>>, vector<1x16xf32>,
        %swap3A_391 = vector.shape_cast %swap3A_390 : vector<1x16xf32> to vector<16xf32>
        %swap3A_392 = vector.shape_cast %add3A_387 : vector<16xf32> to vector<1x16xf32>
        tpu.vector_store %arg9[%swap3A_388, %swap3A_389], %swap3A_392 {strides = array<i32>} : memref<200x128xf32, #tpu.memory_space<vmem>>, vector<1x16xf32>,
        %get3A_393 = arith.index_cast %scan3A_360 : i32 to index
        %get3A_394 = arith.constant 32 : index
        %get3A_395 = tpu.vector_load %arg9[%get3A_393, %get3A_394] {strides = array<i32>} : memref<200x128xf32, #tpu.memory_space<vmem>>, vector<1x16xf32>,
        %get3A_396 = vector.shape_cast %get3A_395 : vector<1x16xf32> to vector<16xf32>
        %mul3A_397 = arith.constant 11.3137083 : f32
        %mul3A_398 = vector.broadcast %mul3A_397 : f32 to vector<16xf32>
        %mul3A_399 = arith.mulf %get3A_396, %mul3A_398 : vector<16xf32>
        %get3A_400 = arith.index_cast %scan3A_360 : i32 to index
        %get3A_401 = arith.constant 32 : index
        %get3A_402 = tpu.vector_load %arg10[%get3A_400, %get3A_401] {strides = array<i32>} : memref<200x128xf32, #tpu.memory_space<vmem>>, vector<1x16xf32>,
        %get3A_403 = vector.shape_cast %get3A_402 : vector<1x16xf32> to vector<16xf32>
        %add3A_404 = arith.addf %mul3A_399, %get3A_403 : vector<16xf32>
        %swap3A_405 = arith.index_cast %scan3A_360 : i32 to index
        %swap3A_406 = arith.constant 32 : index
        %swap3A_407 = tpu.vector_load %arg9[%swap3A_405, %swap3A_406] {strides = array<i32>} : memref<200x128xf32, #tpu.memory_space<vmem>>, vector<1x16xf32>,
        %swap3A_408 = vector.shape_cast %swap3A_407 : vector<1x16xf32> to vector<16xf32>
        %swap3A_409 = vector.shape_cast %add3A_404 : vector<16xf32> to vector<1x16xf32>
        tpu.vector_store %arg9[%swap3A_405, %swap3A_406], %swap3A_409 {strides = array<i32>} : memref<200x128xf32, #tpu.memory_space<vmem>>, vector<1x16xf32>,
        %get3A_410 = arith.index_cast %scan3A_360 : i32 to index
        %get3A_411 = arith.constant 48 : index
        %get3A_412 = tpu.vector_load %arg9[%get3A_410, %get3A_411] {strides = array<i32>} : memref<200x128xf32, #tpu.memory_space<vmem>>, vector<1x16xf32>,
        %get3A_413 = vector.shape_cast %get3A_412 : vector<1x16xf32> to vector<16xf32>
        %mul3A_414 = arith.constant 11.3137083 : f32
        %mul3A_415 = vector.broadcast %mul3A_414 : f32 to vector<16xf32>
        %mul3A_416 = arith.mulf %get3A_413, %mul3A_415 : vector<16xf32>
        %get3A_417 = arith.index_cast %scan3A_360 : i32 to index
        %get3A_418 = arith.constant 48 : index
        %get3A_419 = tpu.vector_load %arg10[%get3A_417, %get3A_418] {strides = array<i32>} : memref<200x128xf32, #tpu.memory_space<vmem>>, vector<1x16xf32>,
        %get3A_420 = vector.shape_cast %get3A_419 : vector<1x16xf32> to vector<16xf32>
        %add3A_421 = arith.addf %mul3A_416, %get3A_420 : vector<16xf32>
        %swap3A_422 = arith.index_cast %scan3A_360 : i32 to index
        %swap3A_423 = arith.constant 48 : index
        %swap3A_424 = tpu.vector_load %arg9[%swap3A_422, %swap3A_423] {strides = array<i32>} : memref<200x128xf32, #tpu.memory_space<vmem>>, vector<1x16xf32>,
        %swap3A_425 = vector.shape_cast %swap3A_424 : vector<1x16xf32> to vector<16xf32>
        %swap3A_426 = vector.shape_cast %add3A_421 : vector<16xf32> to vector<1x16xf32>
        tpu.vector_store %arg9[%swap3A_422, %swap3A_423], %swap3A_426 {strides = array<i32>} : memref<200x128xf32, #tpu.memory_space<vmem>>, vector<1x16xf32>,
        %get3A_427 = arith.index_cast %scan3A_360 : i32 to index
        %get3A_428 = arith.constant 64 : index
        %get3A_429 = tpu.vector_load %arg9[%get3A_427, %get3A_428] {strides = array<i32>} : memref<200x128xf32, #tpu.memory_space<vmem>>, vector<1x16xf32>,
        %get3A_430 = vector.shape_cast %get3A_429 : vector<1x16xf32> to vector<16xf32>
        %mul3A_431 = arith.constant 11.3137083 : f32
        %mul3A_432 = vector.broadcast %mul3A_431 : f32 to vector<16xf32>
        %mul3A_433 = arith.mulf %get3A_430, %mul3A_432 : vector<16xf32>
        %get3A_434 = arith.index_cast %scan3A_360 : i32 to index
        %get3A_435 = arith.constant 64 : index
        %get3A_436 = tpu.vector_load %arg10[%get3A_434, %get3A_435] {strides = array<i32>} : memref<200x128xf32, #tpu.memory_space<vmem>>, vector<1x16xf32>,
        %get3A_437 = vector.shape_cast %get3A_436 : vector<1x16xf32> to vector<16xf32>
        %add3A_438 = arith.addf %mul3A_433, %get3A_437 : vector<16xf32>
        %swap3A_439 = arith.index_cast %scan3A_360 : i32 to index
        %swap3A_440 = arith.constant 64 : index
        %swap3A_441 = tpu.vector_load %arg9[%swap3A_439, %swap3A_440] {strides = array<i32>} : memref<200x128xf32, #tpu.memory_space<vmem>>, vector<1x16xf32>,
        %swap3A_442 = vector.shape_cast %swap3A_441 : vector<1x16xf32> to vector<16xf32>
        %swap3A_443 = vector.shape_cast %add3A_438 : vector<16xf32> to vector<1x16xf32>
        tpu.vector_store %arg9[%swap3A_439, %swap3A_440], %swap3A_443 {strides = array<i32>} : memref<200x128xf32, #tpu.memory_space<vmem>>, vector<1x16xf32>,
        %get3A_444 = arith.index_cast %scan3A_360 : i32 to index
        %get3A_445 = arith.constant 80 : index
        %get3A_446 = tpu.vector_load %arg9[%get3A_444, %get3A_445] {strides = array<i32>} : memref<200x128xf32, #tpu.memory_space<vmem>>, vector<1x16xf32>,
        %get3A_447 = vector.shape_cast %get3A_446 : vector<1x16xf32> to vector<16xf32>
        %mul3A_448 = arith.constant 11.3137083 : f32
        %mul3A_449 = vector.broadcast %mul3A_448 : f32 to vector<16xf32>
        %mul3A_450 = arith.mulf %get3A_447, %mul3A_449 : vector<16xf32>
        %get3A_451 = arith.index_cast %scan3A_360 : i32 to index
        %get3A_452 = arith.constant 80 : index
        %get3A_453 = tpu.vector_load %arg10[%get3A_451, %get3A_452] {strides = array<i32>} : memref<200x128xf32, #tpu.memory_space<vmem>>, vector<1x16xf32>,
        %get3A_454 = vector.shape_cast %get3A_453 : vector<1x16xf32> to vector<16xf32>
        %add3A_455 = arith.addf %mul3A_450, %get3A_454 : vector<16xf32>
        %swap3A_456 = arith.index_cast %scan3A_360 : i32 to index
        %swap3A_457 = arith.constant 80 : index
        %swap3A_458 = tpu.vector_load %arg9[%swap3A_456, %swap3A_457] {strides = array<i32>} : memref<200x128xf32, #tpu.memory_space<vmem>>, vector<1x16xf32>,
        %swap3A_459 = vector.shape_cast %swap3A_458 : vector<1x16xf32> to vector<16xf32>
        %swap3A_460 = vector.shape_cast %add3A_455 : vector<16xf32> to vector<1x16xf32>
        tpu.vector_store %arg9[%swap3A_456, %swap3A_457], %swap3A_460 {strides = array<i32>} : memref<200x128xf32, #tpu.memory_space<vmem>>, vector<1x16xf32>,
        %get3A_461 = arith.index_cast %scan3A_360 : i32 to index
        %get3A_462 = arith.constant 96 : index
        %get3A_463 = tpu.vector_load %arg9[%get3A_461, %get3A_462] {strides = array<i32>} : memref<200x128xf32, #tpu.memory_space<vmem>>, vector<1x16xf32>,
        %get3A_464 = vector.shape_cast %get3A_463 : vector<1x16xf32> to vector<16xf32>
        %mul3A_465 = arith.constant 11.3137083 : f32
        %mul3A_466 = vector.broadcast %mul3A_465 : f32 to vector<16xf32>
        %mul3A_467 = arith.mulf %get3A_464, %mul3A_466 : vector<16xf32>
        %get3A_468 = arith.index_cast %scan3A_360 : i32 to index
        %get3A_469 = arith.constant 96 : index
        %get3A_470 = tpu.vector_load %arg10[%get3A_468, %get3A_469] {strides = array<i32>} : memref<200x128xf32, #tpu.memory_space<vmem>>, vector<1x16xf32>,
        %get3A_471 = vector.shape_cast %get3A_470 : vector<1x16xf32> to vector<16xf32>
        %add3A_472 = arith.addf %mul3A_467, %get3A_471 : vector<16xf32>
        %swap3A_473 = arith.index_cast %scan3A_360 : i32 to index
        %swap3A_474 = arith.constant 96 : index
        %swap3A_475 = tpu.vector_load %arg9[%swap3A_473, %swap3A_474] {strides = array<i32>} : memref<200x128xf32, #tpu.memory_space<vmem>>, vector<1x16xf32>,
        %swap3A_476 = vector.shape_cast %swap3A_475 : vector<1x16xf32> to vector<16xf32>
        %swap3A_477 = vector.shape_cast %add3A_472 : vector<16xf32> to vector<1x16xf32>
        tpu.vector_store %arg9[%swap3A_473, %swap3A_474], %swap3A_477 {strides = array<i32>} : memref<200x128xf32, #tpu.memory_space<vmem>>, vector<1x16xf32>,
        %get3A_478 = arith.index_cast %scan3A_360 : i32 to index
        %get3A_479 = arith.constant 112 : index
        %get3A_480 = tpu.vector_load %arg9[%get3A_478, %get3A_479] {strides = array<i32>} : memref<200x128xf32, #tpu.memory_space<vmem>>, vector<1x16xf32>,
        %get3A_481 = vector.shape_cast %get3A_480 : vector<1x16xf32> to vector<16xf32>
        %mul3A_482 = arith.constant 11.3137083 : f32
        %mul3A_483 = vector.broadcast %mul3A_482 : f32 to vector<16xf32>
        %mul3A_484 = arith.mulf %get3A_481, %mul3A_483 : vector<16xf32>
        %get3A_485 = arith.index_cast %scan3A_360 : i32 to index
        %get3A_486 = arith.constant 112 : index
        %get3A_487 = tpu.vector_load %arg10[%get3A_485, %get3A_486] {strides = array<i32>} : memref<200x128xf32, #tpu.memory_space<vmem>>, vector<1x16xf32>,
        %get3A_488 = vector.shape_cast %get3A_487 : vector<1x16xf32> to vector<16xf32>
        %add3A_489 = arith.addf %mul3A_484, %get3A_488 : vector<16xf32>
        %swap3A_490 = arith.index_cast %scan3A_360 : i32 to index
        %swap3A_491 = arith.constant 112 : index
        %swap3A_492 = tpu.vector_load %arg9[%swap3A_490, %swap3A_491] {strides = array<i32>} : memref<200x128xf32, #tpu.memory_space<vmem>>, vector<1x16xf32>,
        %swap3A_493 = vector.shape_cast %swap3A_492 : vector<1x16xf32> to vector<16xf32>
        %swap3A_494 = vector.shape_cast %add3A_489 : vector<16xf32> to vector<1x16xf32>
        tpu.vector_store %arg9[%swap3A_490, %swap3A_491], %swap3A_494 {strides = array<i32>} : memref<200x128xf32, #tpu.memory_space<vmem>>, vector<1x16xf32>,
      }
      %scan3A_275 = arith.constant 200 : i32
      %mul3A_276 = arith.constant 200 : i32
      %mul3A_277 = arith.muli %add3A_263, %mul3A_276 : i32
      %add3A_278 = arith.addi %mul3A_2, %mul3A_277 : i32
      %dma_start3A_279 = arith.constant 0 : i32
      %dma_start3A_280 = tpu.memref_slice %arg5[%add3A_278, %dma_start3A_279] : memref<204800x128xf32, #tpu.memory_space<hbm>> -> memref<200x128xf32, #tpu.memory_space<hbm>>
      %dma_start3A_281 = arith.constant 0 : i32
      %dma_start3A_282 = tpu.memref_slice %arg5[%add3A_278, %dma_start3A_281] : memref<204800x128xf32, #tpu.memory_space<hbm>> -> memref<200x128xf32, #tpu.memory_space<hbm>>
      tpu.enqueue_dma source(%arg9 : memref<200x128xf32, #tpu.memory_space<vmem>>) target(%dma_start3A_282 : memref<200x128xf32, #tpu.memory_space<hbm>>) target_semaphore(%arg16 : memref<!tpu.dma_semaphore, #tpu.memory_space<semaphore_mem>>)
      %dma_wait3A_283 = arith.constant 0 : i32
      %dma_wait3A_284 = arith.constant 0 : i32
      %dma_wait3A_285 = tpu.memref_slice %arg5[%dma_wait3A_283, %dma_wait3A_284] : memref<204800x128xf32, #tpu.memory_space<hbm>> -> memref<200x128xf32, #tpu.memory_space<hbm>>
      %dma_wait3A_286 = arith.constant 0 : i32
      %dma_wait3A_287 = arith.constant 0 : i32
      %dma_wait3A_288 = tpu.memref_slice %arg5[%dma_wait3A_286, %dma_wait3A_287] : memref<204800x128xf32, #tpu.memory_space<hbm>> -> memref<200x128xf32, #tpu.memory_space<hbm>>
      tpu.wait_dma2 semaphore(%arg15 : memref<!tpu.dma_semaphore, #tpu.memory_space<semaphore_mem>>) src(%arg8 : memref<200x128xf32, #tpu.memory_space<vmem>>) dst(%dma_wait3A_288 : memref<200x128xf32, #tpu.memory_space<hbm>>)
      %add3A_289 = arith.constant 2 : i32
      %add3A_290 = arith.addi %add3A_263, %add3A_289 : i32
      %mul3A_291 = arith.constant 200 : i32
      %mul3A_292 = arith.muli %add3A_290, %mul3A_291 : i32
      %dma_start3A_293 = arith.constant 0 : i32
      %dma_start3A_294 = arith.constant 0 : i32
      %dma_start3A_295 = tpu.memref_slice %arg8[%dma_start3A_293, %dma_start3A_294] : memref<200x128xf32, #tpu.memory_space<vmem>> -> memref<96x128xf32, #tpu.memory_space<vmem>>
      %dma_start3A_296 = tpu.memref_slice %arg6[%mul3A_292] : memref<6400xi32, #tpu.memory_space<vmem>> -> memref<96xi32, #tpu.memory_space<vmem>>
      %dma_start3A_297 = arith.constant 0 : i32
      %dma_start3A_298 = arith.constant 0 : i32
      %dma_start3A_299 = tpu.memref_slice %arg2[%dma_start3A_297, %dma_start3A_298] : memref<100000x128xf32, #tpu.memory_space<hbm>> -> memref<100000x128xf32, #tpu.memory_space<hbm>>
      tpu.enqueue_indirect_dma source(%dma_start3A_299 : memref<100000x128xf32, #tpu.memory_space<hbm>>) target(%dma_start3A_295 : memref<96x128xf32, #tpu.memory_space<vmem>>) offsets(%dma_start3A_296 : memref<96xi32, #tpu.memory_space<vmem>>) semaphore(%arg12 : memref<!tpu.dma_semaphore, #tpu.memory_space<semaphore_mem>>)
      %add3A_300 = arith.constant 96 : i32
      %add3A_301 = arith.addi %mul3A_292, %add3A_300 : i32
      %dma_start3A_302 = arith.constant 96 : i32
      %dma_start3A_303 = arith.constant 0 : i32
      %dma_start3A_304 = tpu.memref_slice %arg8[%dma_start3A_302, %dma_start3A_303] : memref<200x128xf32, #tpu.memory_space<vmem>> -> memref<104x128xf32, #tpu.memory_space<vmem>>
      %dma_start3A_305 = tpu.memref_slice %arg6[%add3A_301] : memref<6400xi32, #tpu.memory_space<vmem>> -> memref<104xi32, #tpu.memory_space<vmem>>
      %dma_start3A_306 = arith.constant 0 : i32
      %dma_start3A_307 = arith.constant 0 : i32
      %dma_start3A_308 = tpu.memref_slice %arg2[%dma_start3A_306, %dma_start3A_307] : memref<100000x128xf32, #tpu.memory_space<hbm>> -> memref<100000x128xf32, #tpu.memory_space<hbm>>
      tpu.enqueue_indirect_dma source(%dma_start3A_308 : memref<100000x128xf32, #tpu.memory_space<hbm>>) target(%dma_start3A_304 : memref<104x128xf32, #tpu.memory_space<vmem>>) offsets(%dma_start3A_305 : memref<104xi32, #tpu.memory_space<vmem>>) semaphore(%arg12 : memref<!tpu.dma_semaphore, #tpu.memory_space<semaphore_mem>>)
      %mul3A_309 = arith.constant 3 : i32
      %mul3A_310 = arith.muli %scan3A_206, %mul3A_309 : i32
      %add3A_311 = arith.constant 1 : i32
      %add3A_312 = arith.addi %add3A_311, %mul3A_310 : i32
      %add3A_313 = arith.constant 2 : i32
      %add3A_314 = arith.addi %add3A_312, %add3A_313 : i32
      %dma_wait3A_315 = arith.constant 0 : i32
      %dma_wait3A_316 = arith.constant 0 : i32
      %dma_wait3A_317 = tpu.memref_slice %arg2[%dma_wait3A_315, %dma_wait3A_316] : memref<100000x128xf32, #tpu.memory_space<hbm>> -> memref<200x128xf32, #tpu.memory_space<hbm>>
      %dma_wait3A_318 = arith.constant 0 : i32
      %dma_wait3A_319 = arith.constant 0 : i32
      %dma_wait3A_320 = tpu.memref_slice %arg2[%dma_wait3A_318, %dma_wait3A_319] : memref<100000x128xf32, #tpu.memory_space<hbm>> -> memref<200x128xf32, #tpu.memory_space<hbm>>
      tpu.wait_dma2 semaphore(%arg11 : memref<!tpu.dma_semaphore, #tpu.memory_space<semaphore_mem>>) src(%dma_wait3A_320 : memref<200x128xf32, #tpu.memory_space<hbm>>) dst(%arg7 : memref<200x128xf32, #tpu.memory_space<vmem>>)
      %scan3A_321 = arith.constant 0 : i32
      %scan3A_322 = arith.constant 0 : i32
      %scan3A_323 = arith.constant 200 : i32
      %scan3A_324 = arith.addi %scan3A_322, %scan3A_323 : i32
      %scan3A_325 = arith.constant 1 : i32
      scf.for %scan3A_360 = %scan3A_322 to %scan3A_324 step %scan3A_325  : i32 {
        %get3A = arith.index_cast %scan3A_360 : i32 to index
        %get3A_361 = arith.constant 0 : index
        %get3A_362 = tpu.vector_load %arg7[%get3A, %get3A_361] {strides = array<i32>} : memref<200x128xf32, #tpu.memory_space<vmem>>, vector<1x16xf32>,
        %get3A_363 = vector.shape_cast %get3A_362 : vector<1x16xf32> to vector<16xf32>
        %mul3A_364 = arith.constant 11.3137083 : f32
        %mul3A_365 = vector.broadcast %mul3A_364 : f32 to vector<16xf32>
        %mul3A_366 = arith.mulf %get3A_363, %mul3A_365 : vector<16xf32>
        %get3A_367 = arith.index_cast %scan3A_360 : i32 to index
        %get3A_368 = arith.constant 0 : index
        %get3A_369 = tpu.vector_load %arg10[%get3A_367, %get3A_368] {strides = array<i32>} : memref<200x128xf32, #tpu.memory_space<vmem>>, vector<1x16xf32>,
        %get3A_370 = vector.shape_cast %get3A_369 : vector<1x16xf32> to vector<16xf32>
        %add3A_371 = arith.addf %mul3A_366, %get3A_370 : vector<16xf32>
        %swap3A = arith.index_cast %scan3A_360 : i32 to index
        %swap3A_372 = arith.constant 0 : index
        %swap3A_373 = tpu.vector_load %arg7[%swap3A, %swap3A_372] {strides = array<i32>} : memref<200x128xf32, #tpu.memory_space<vmem>>, vector<1x16xf32>,
        %swap3A_374 = vector.shape_cast %swap3A_373 : vector<1x16xf32> to vector<16xf32>
        %swap3A_375 = vector.shape_cast %add3A_371 : vector<16xf32> to vector<1x16xf32>
        tpu.vector_store %arg7[%swap3A, %swap3A_372], %swap3A_375 {strides = array<i32>} : memref<200x128xf32, #tpu.memory_space<vmem>>, vector<1x16xf32>,
        %get3A_376 = arith.index_cast %scan3A_360 : i32 to index
        %get3A_377 = arith.constant 16 : index
        %get3A_378 = tpu.vector_load %arg7[%get3A_376, %get3A_377] {strides = array<i32>} : memref<200x128xf32, #tpu.memory_space<vmem>>, vector<1x16xf32>,
        %get3A_379 = vector.shape_cast %get3A_378 : vector<1x16xf32> to vector<16xf32>
        %mul3A_380 = arith.constant 11.3137083 : f32
        %mul3A_381 = vector.broadcast %mul3A_380 : f32 to vector<16xf32>
        %mul3A_382 = arith.mulf %get3A_379, %mul3A_381 : vector<16xf32>
        %get3A_383 = arith.index_cast %scan3A_360 : i32 to index
        %get3A_384 = arith.constant 16 : index
        %get3A_385 = tpu.vector_load %arg10[%get3A_383, %get3A_384] {strides = array<i32>} : memref<200x128xf32, #tpu.memory_space<vmem>>, vector<1x16xf32>,
        %get3A_386 = vector.shape_cast %get3A_385 : vector<1x16xf32> to vector<16xf32>
        %add3A_387 = arith.addf %mul3A_382, %get3A_386 : vector<16xf32>
        %swap3A_388 = arith.index_cast %scan3A_360 : i32 to index
        %swap3A_389 = arith.constant 16 : index
        %swap3A_390 = tpu.vector_load %arg7[%swap3A_388, %swap3A_389] {strides = array<i32>} : memref<200x128xf32, #tpu.memory_space<vmem>>, vector<1x16xf32>,
        %swap3A_391 = vector.shape_cast %swap3A_390 : vector<1x16xf32> to vector<16xf32>
        %swap3A_392 = vector.shape_cast %add3A_387 : vector<16xf32> to vector<1x16xf32>
        tpu.vector_store %arg7[%swap3A_388, %swap3A_389], %swap3A_392 {strides = array<i32>} : memref<200x128xf32, #tpu.memory_space<vmem>>, vector<1x16xf32>,
        %get3A_393 = arith.index_cast %scan3A_360 : i32 to index
        %get3A_394 = arith.constant 32 : index
        %get3A_395 = tpu.vector_load %arg7[%get3A_393, %get3A_394] {strides = array<i32>} : memref<200x128xf32, #tpu.memory_space<vmem>>, vector<1x16xf32>,
        %get3A_396 = vector.shape_cast %get3A_395 : vector<1x16xf32> to vector<16xf32>
        %mul3A_397 = arith.constant 11.3137083 : f32
        %mul3A_398 = vector.broadcast %mul3A_397 : f32 to vector<16xf32>
        %mul3A_399 = arith.mulf %get3A_396, %mul3A_398 : vector<16xf32>
        %get3A_400 = arith.index_cast %scan3A_360 : i32 to index
        %get3A_401 = arith.constant 32 : index
        %get3A_402 = tpu.vector_load %arg10[%get3A_400, %get3A_401] {strides = array<i32>} : memref<200x128xf32, #tpu.memory_space<vmem>>, vector<1x16xf32>,
        %get3A_403 = vector.shape_cast %get3A_402 : vector<1x16xf32> to vector<16xf32>
        %add3A_404 = arith.addf %mul3A_399, %get3A_403 : vector<16xf32>
        %swap3A_405 = arith.index_cast %scan3A_360 : i32 to index
        %swap3A_406 = arith.constant 32 : index
        %swap3A_407 = tpu.vector_load %arg7[%swap3A_405, %swap3A_406] {strides = array<i32>} : memref<200x128xf32, #tpu.memory_space<vmem>>, vector<1x16xf32>,
        %swap3A_408 = vector.shape_cast %swap3A_407 : vector<1x16xf32> to vector<16xf32>
        %swap3A_409 = vector.shape_cast %add3A_404 : vector<16xf32> to vector<1x16xf32>
        tpu.vector_store %arg7[%swap3A_405, %swap3A_406], %swap3A_409 {strides = array<i32>} : memref<200x128xf32, #tpu.memory_space<vmem>>, vector<1x16xf32>,
        %get3A_410 = arith.index_cast %scan3A_360 : i32 to index
        %get3A_411 = arith.constant 48 : index
        %get3A_412 = tpu.vector_load %arg7[%get3A_410, %get3A_411] {strides = array<i32>} : memref<200x128xf32, #tpu.memory_space<vmem>>, vector<1x16xf32>,
        %get3A_413 = vector.shape_cast %get3A_412 : vector<1x16xf32> to vector<16xf32>
        %mul3A_414 = arith.constant 11.3137083 : f32
        %mul3A_415 = vector.broadcast %mul3A_414 : f32 to vector<16xf32>
        %mul3A_416 = arith.mulf %get3A_413, %mul3A_415 : vector<16xf32>
        %get3A_417 = arith.index_cast %scan3A_360 : i32 to index
        %get3A_418 = arith.constant 48 : index
        %get3A_419 = tpu.vector_load %arg10[%get3A_417, %get3A_418] {strides = array<i32>} : memref<200x128xf32, #tpu.memory_space<vmem>>, vector<1x16xf32>,
        %get3A_420 = vector.shape_cast %get3A_419 : vector<1x16xf32> to vector<16xf32>
        %add3A_421 = arith.addf %mul3A_416, %get3A_420 : vector<16xf32>
        %swap3A_422 = arith.index_cast %scan3A_360 : i32 to index
        %swap3A_423 = arith.constant 48 : index
        %swap3A_424 = tpu.vector_load %arg7[%swap3A_422, %swap3A_423] {strides = array<i32>} : memref<200x128xf32, #tpu.memory_space<vmem>>, vector<1x16xf32>,
        %swap3A_425 = vector.shape_cast %swap3A_424 : vector<1x16xf32> to vector<16xf32>
        %swap3A_426 = vector.shape_cast %add3A_421 : vector<16xf32> to vector<1x16xf32>
        tpu.vector_store %arg7[%swap3A_422, %swap3A_423], %swap3A_426 {strides = array<i32>} : memref<200x128xf32, #tpu.memory_space<vmem>>, vector<1x16xf32>,
        %get3A_427 = arith.index_cast %scan3A_360 : i32 to index
        %get3A_428 = arith.constant 64 : index
        %get3A_429 = tpu.vector_load %arg7[%get3A_427, %get3A_428] {strides = array<i32>} : memref<200x128xf32, #tpu.memory_space<vmem>>, vector<1x16xf32>,
        %get3A_430 = vector.shape_cast %get3A_429 : vector<1x16xf32> to vector<16xf32>
        %mul3A_431 = arith.constant 11.3137083 : f32
        %mul3A_432 = vector.broadcast %mul3A_431 : f32 to vector<16xf32>
        %mul3A_433 = arith.mulf %get3A_430, %mul3A_432 : vector<16xf32>
        %get3A_434 = arith.index_cast %scan3A_360 : i32 to index
        %get3A_435 = arith.constant 64 : index
        %get3A_436 = tpu.vector_load %arg10[%get3A_434, %get3A_435] {strides = array<i32>} : memref<200x128xf32, #tpu.memory_space<vmem>>, vector<1x16xf32>,
        %get3A_437 = vector.shape_cast %get3A_436 : vector<1x16xf32> to vector<16xf32>
        %add3A_438 = arith.addf %mul3A_433, %get3A_437 : vector<16xf32>
        %swap3A_439 = arith.index_cast %scan3A_360 : i32 to index
        %swap3A_440 = arith.constant 64 : index
        %swap3A_441 = tpu.vector_load %arg7[%swap3A_439, %swap3A_440] {strides = array<i32>} : memref<200x128xf32, #tpu.memory_space<vmem>>, vector<1x16xf32>,
        %swap3A_442 = vector.shape_cast %swap3A_441 : vector<1x16xf32> to vector<16xf32>
        %swap3A_443 = vector.shape_cast %add3A_438 : vector<16xf32> to vector<1x16xf32>
        tpu.vector_store %arg7[%swap3A_439, %swap3A_440], %swap3A_443 {strides = array<i32>} : memref<200x128xf32, #tpu.memory_space<vmem>>, vector<1x16xf32>,
        %get3A_444 = arith.index_cast %scan3A_360 : i32 to index
        %get3A_445 = arith.constant 80 : index
        %get3A_446 = tpu.vector_load %arg7[%get3A_444, %get3A_445] {strides = array<i32>} : memref<200x128xf32, #tpu.memory_space<vmem>>, vector<1x16xf32>,
        %get3A_447 = vector.shape_cast %get3A_446 : vector<1x16xf32> to vector<16xf32>
        %mul3A_448 = arith.constant 11.3137083 : f32
        %mul3A_449 = vector.broadcast %mul3A_448 : f32 to vector<16xf32>
        %mul3A_450 = arith.mulf %get3A_447, %mul3A_449 : vector<16xf32>
        %get3A_451 = arith.index_cast %scan3A_360 : i32 to index
        %get3A_452 = arith.constant 80 : index
        %get3A_453 = tpu.vector_load %arg10[%get3A_451, %get3A_452] {strides = array<i32>} : memref<200x128xf32, #tpu.memory_space<vmem>>, vector<1x16xf32>,
        %get3A_454 = vector.shape_cast %get3A_453 : vector<1x16xf32> to vector<16xf32>
        %add3A_455 = arith.addf %mul3A_450, %get3A_454 : vector<16xf32>
        %swap3A_456 = arith.index_cast %scan3A_360 : i32 to index
        %swap3A_457 = arith.constant 80 : index
        %swap3A_458 = tpu.vector_load %arg7[%swap3A_456, %swap3A_457] {strides = array<i32>} : memref<200x128xf32, #tpu.memory_space<vmem>>, vector<1x16xf32>,
        %swap3A_459 = vector.shape_cast %swap3A_458 : vector<1x16xf32> to vector<16xf32>
        %swap3A_460 = vector.shape_cast %add3A_455 : vector<16xf32> to vector<1x16xf32>
        tpu.vector_store %arg7[%swap3A_456, %swap3A_457], %swap3A_460 {strides = array<i32>} : memref<200x128xf32, #tpu.memory_space<vmem>>, vector<1x16xf32>,
        %get3A_461 = arith.index_cast %scan3A_360 : i32 to index
        %get3A_462 = arith.constant 96 : index
        %get3A_463 = tpu.vector_load %arg7[%get3A_461, %get3A_462] {strides = array<i32>} : memref<200x128xf32, #tpu.memory_space<vmem>>, vector<1x16xf32>,
        %get3A_464 = vector.shape_cast %get3A_463 : vector<1x16xf32> to vector<16xf32>
        %mul3A_465 = arith.constant 11.3137083 : f32
        %mul3A_466 = vector.broadcast %mul3A_465 : f32 to vector<16xf32>
        %mul3A_467 = arith.mulf %get3A_464, %mul3A_466 : vector<16xf32>
        %get3A_468 = arith.index_cast %scan3A_360 : i32 to index
        %get3A_469 = arith.constant 96 : index
        %get3A_470 = tpu.vector_load %arg10[%get3A_468, %get3A_469] {strides = array<i32>} : memref<200x128xf32, #tpu.memory_space<vmem>>, vector<1x16xf32>,
        %get3A_471 = vector.shape_cast %get3A_470 : vector<1x16xf32> to vector<16xf32>
        %add3A_472 = arith.addf %mul3A_467, %get3A_471 : vector<16xf32>
        %swap3A_473 = arith.index_cast %scan3A_360 : i32 to index
        %swap3A_474 = arith.constant 96 : index
        %swap3A_475 = tpu.vector_load %arg7[%swap3A_473, %swap3A_474] {strides = array<i32>} : memref<200x128xf32, #tpu.memory_space<vmem>>, vector<1x16xf32>,
        %swap3A_476 = vector.shape_cast %swap3A_475 : vector<1x16xf32> to vector<16xf32>
        %swap3A_477 = vector.shape_cast %add3A_472 : vector<16xf32> to vector<1x16xf32>
        tpu.vector_store %arg7[%swap3A_473, %swap3A_474], %swap3A_477 {strides = array<i32>} : memref<200x128xf32, #tpu.memory_space<vmem>>, vector<1x16xf32>,
        %get3A_478 = arith.index_cast %scan3A_360 : i32 to index
        %get3A_479 = arith.constant 112 : index
        %get3A_480 = tpu.vector_load %arg7[%get3A_478, %get3A_479] {strides = array<i32>} : memref<200x128xf32, #tpu.memory_space<vmem>>, vector<1x16xf32>,
        %get3A_481 = vector.shape_cast %get3A_480 : vector<1x16xf32> to vector<16xf32>
        %mul3A_482 = arith.constant 11.3137083 : f32
        %mul3A_483 = vector.broadcast %mul3A_482 : f32 to vector<16xf32>
        %mul3A_484 = arith.mulf %get3A_481, %mul3A_483 : vector<16xf32>
        %get3A_485 = arith.index_cast %scan3A_360 : i32 to index
        %get3A_486 = arith.constant 112 : index
        %get3A_487 = tpu.vector_load %arg10[%get3A_485, %get3A_486] {strides = array<i32>} : memref<200x128xf32, #tpu.memory_space<vmem>>, vector<1x16xf32>,
        %get3A_488 = vector.shape_cast %get3A_487 : vector<1x16xf32> to vector<16xf32>
        %add3A_489 = arith.addf %mul3A_484, %get3A_488 : vector<16xf32>
        %swap3A_490 = arith.index_cast %scan3A_360 : i32 to index
        %swap3A_491 = arith.constant 112 : index
        %swap3A_492 = tpu.vector_load %arg7[%swap3A_490, %swap3A_491] {strides = array<i32>} : memref<200x128xf32, #tpu.memory_space<vmem>>, vector<1x16xf32>,
        %swap3A_493 = vector.shape_cast %swap3A_492 : vector<1x16xf32> to vector<16xf32>
        %swap3A_494 = vector.shape_cast %add3A_489 : vector<16xf32> to vector<1x16xf32>
        tpu.vector_store %arg7[%swap3A_490, %swap3A_491], %swap3A_494 {strides = array<i32>} : memref<200x128xf32, #tpu.memory_space<vmem>>, vector<1x16xf32>,
      }
      %scan3A_326 = arith.constant 200 : i32
      %mul3A_327 = arith.constant 200 : i32
      %mul3A_328 = arith.muli %add3A_314, %mul3A_327 : i32
      %add3A_329 = arith.addi %mul3A_2, %mul3A_328 : i32
      %dma_start3A_330 = arith.constant 0 : i32
      %dma_start3A_331 = tpu.memref_slice %arg5[%add3A_329, %dma_start3A_330] : memref<204800x128xf32, #tpu.memory_space<hbm>> -> memref<200x128xf32, #tpu.memory_space<hbm>>
      %dma_start3A_332 = arith.constant 0 : i32
      %dma_start3A_333 = tpu.memref_slice %arg5[%add3A_329, %dma_start3A_332] : memref<204800x128xf32, #tpu.memory_space<hbm>> -> memref<200x128xf32, #tpu.memory_space<hbm>>
      tpu.enqueue_dma source(%arg7 : memref<200x128xf32, #tpu.memory_space<vmem>>) target(%dma_start3A_333 : memref<200x128xf32, #tpu.memory_space<hbm>>) target_semaphore(%arg14 : memref<!tpu.dma_semaphore, #tpu.memory_space<semaphore_mem>>)
      %dma_wait3A_334 = arith.constant 0 : i32
      %dma_wait3A_335 = arith.constant 0 : i32
      %dma_wait3A_336 = tpu.memref_slice %arg5[%dma_wait3A_334, %dma_wait3A_335] : memref<204800x128xf32, #tpu.memory_space<hbm>> -> memref<200x128xf32, #tpu.memory_space<hbm>>
      %dma_wait3A_337 = arith.constant 0 : i32
      %dma_wait3A_338 = arith.constant 0 : i32
      %dma_wait3A_339 = tpu.memref_slice %arg5[%dma_wait3A_337, %dma_wait3A_338] : memref<204800x128xf32, #tpu.memory_space<hbm>> -> memref<200x128xf32, #tpu.memory_space<hbm>>
      tpu.wait_dma2 semaphore(%arg16 : memref<!tpu.dma_semaphore, #tpu.memory_space<semaphore_mem>>) src(%arg9 : memref<200x128xf32, #tpu.memory_space<vmem>>) dst(%dma_wait3A_339 : memref<200x128xf32, #tpu.memory_space<hbm>>)
      %add3A_340 = arith.constant 2 : i32
      %add3A_341 = arith.addi %add3A_314, %add3A_340 : i32
      %mul3A_342 = arith.constant 200 : i32
      %mul3A_343 = arith.muli %add3A_341, %mul3A_342 : i32
      %dma_start3A_344 = arith.constant 0 : i32
      %dma_start3A_345 = arith.constant 0 : i32
      %dma_start3A_346 = tpu.memref_slice %arg9[%dma_start3A_344, %dma_start3A_345] : memref<200x128xf32, #tpu.memory_space<vmem>> -> memref<96x128xf32, #tpu.memory_space<vmem>>
      %dma_start3A_347 = tpu.memref_slice %arg6[%mul3A_343] : memref<6400xi32, #tpu.memory_space<vmem>> -> memref<96xi32, #tpu.memory_space<vmem>>
      %dma_start3A_348 = arith.constant 0 : i32
      %dma_start3A_349 = arith.constant 0 : i32
      %dma_start3A_350 = tpu.memref_slice %arg2[%dma_start3A_348, %dma_start3A_349] : memref<100000x128xf32, #tpu.memory_space<hbm>> -> memref<100000x128xf32, #tpu.memory_space<hbm>>
      tpu.enqueue_indirect_dma source(%dma_start3A_350 : memref<100000x128xf32, #tpu.memory_space<hbm>>) target(%dma_start3A_346 : memref<96x128xf32, #tpu.memory_space<vmem>>) offsets(%dma_start3A_347 : memref<96xi32, #tpu.memory_space<vmem>>) semaphore(%arg13 : memref<!tpu.dma_semaphore, #tpu.memory_space<semaphore_mem>>)
      %add3A_351 = arith.constant 96 : i32
      %add3A_352 = arith.addi %mul3A_343, %add3A_351 : i32
      %dma_start3A_353 = arith.constant 96 : i32
      %dma_start3A_354 = arith.constant 0 : i32
      %dma_start3A_355 = tpu.memref_slice %arg9[%dma_start3A_353, %dma_start3A_354] : memref<200x128xf32, #tpu.memory_space<vmem>> -> memref<104x128xf32, #tpu.memory_space<vmem>>
      %dma_start3A_356 = tpu.memref_slice %arg6[%add3A_352] : memref<6400xi32, #tpu.memory_space<vmem>> -> memref<104xi32, #tpu.memory_space<vmem>>
      %dma_start3A_357 = arith.constant 0 : i32
      %dma_start3A_358 = arith.constant 0 : i32
      %dma_start3A_359 = tpu.memref_slice %arg2[%dma_start3A_357, %dma_start3A_358] : memref<100000x128xf32, #tpu.memory_space<hbm>> -> memref<100000x128xf32, #tpu.memory_space<hbm>>
      tpu.enqueue_indirect_dma source(%dma_start3A_359 : memref<100000x128xf32, #tpu.memory_space<hbm>>) target(%dma_start3A_355 : memref<104x128xf32, #tpu.memory_space<vmem>>) offsets(%dma_start3A_356 : memref<104xi32, #tpu.memory_space<vmem>>) semaphore(%arg13 : memref<!tpu.dma_semaphore, #tpu.memory_space<semaphore_mem>>)
    }
    %scan3A_71 = arith.constant 9 : i32
    %dma_wait3A_72 = arith.constant 0 : i32
    %dma_wait3A_73 = arith.constant 0 : i32
    %dma_wait3A_74 = tpu.memref_slice %arg2[%dma_wait3A_72, %dma_wait3A_73] : memref<100000x128xf32, #tpu.memory_space<hbm>> -> memref<200x128xf32, #tpu.memory_space<hbm>>
    %dma_wait3A_75 = arith.constant 0 : i32
    %dma_wait3A_76 = arith.constant 0 : i32
    %dma_wait3A_77 = tpu.memref_slice %arg2[%dma_wait3A_75, %dma_wait3A_76] : memref<100000x128xf32, #tpu.memory_space<hbm>> -> memref<200x128xf32, #tpu.memory_space<hbm>>
    tpu.wait_dma2 semaphore(%arg12 : memref<!tpu.dma_semaphore, #tpu.memory_space<semaphore_mem>>) src(%dma_wait3A_77 : memref<200x128xf32, #tpu.memory_space<hbm>>) dst(%arg8 : memref<200x128xf32, #tpu.memory_space<vmem>>)
    %scan3A_78 = arith.constant 0 : i32
    %scan3A_79 = arith.constant 0 : i32
    %scan3A_80 = arith.constant 200 : i32
    %scan3A_81 = arith.addi %scan3A_79, %scan3A_80 : i32
    %scan3A_82 = arith.constant 1 : i32
    scf.for %scan3A_206 = %scan3A_79 to %scan3A_81 step %scan3A_82  : i32 {
      %get3A = arith.index_cast %scan3A_206 : i32 to index
      %get3A_207 = arith.constant 0 : index
      %get3A_208 = tpu.vector_load %arg8[%get3A, %get3A_207] {strides = array<i32>} : memref<200x128xf32, #tpu.memory_space<vmem>>, vector<1x16xf32>,
      %get3A_209 = vector.shape_cast %get3A_208 : vector<1x16xf32> to vector<16xf32>
      %mul3A_210 = arith.constant 11.3137083 : f32
      %mul3A_211 = vector.broadcast %mul3A_210 : f32 to vector<16xf32>
      %mul3A_212 = arith.mulf %get3A_209, %mul3A_211 : vector<16xf32>
      %get3A_213 = arith.index_cast %scan3A_206 : i32 to index
      %get3A_214 = arith.constant 0 : index
      %get3A_215 = tpu.vector_load %arg10[%get3A_213, %get3A_214] {strides = array<i32>} : memref<200x128xf32, #tpu.memory_space<vmem>>, vector<1x16xf32>,
      %get3A_216 = vector.shape_cast %get3A_215 : vector<1x16xf32> to vector<16xf32>
      %add3A_217 = arith.addf %mul3A_212, %get3A_216 : vector<16xf32>
      %swap3A = arith.index_cast %scan3A_206 : i32 to index
      %swap3A_218 = arith.constant 0 : index
      %swap3A_219 = tpu.vector_load %arg8[%swap3A, %swap3A_218] {strides = array<i32>} : memref<200x128xf32, #tpu.memory_space<vmem>>, vector<1x16xf32>,
      %swap3A_220 = vector.shape_cast %swap3A_219 : vector<1x16xf32> to vector<16xf32>
      %swap3A_221 = vector.shape_cast %add3A_217 : vector<16xf32> to vector<1x16xf32>
      tpu.vector_store %arg8[%swap3A, %swap3A_218], %swap3A_221 {strides = array<i32>} : memref<200x128xf32, #tpu.memory_space<vmem>>, vector<1x16xf32>,
      %get3A_222 = arith.index_cast %scan3A_206 : i32 to index
      %get3A_223 = arith.constant 16 : index
      %get3A_224 = tpu.vector_load %arg8[%get3A_222, %get3A_223] {strides = array<i32>} : memref<200x128xf32, #tpu.memory_space<vmem>>, vector<1x16xf32>,
      %get3A_225 = vector.shape_cast %get3A_224 : vector<1x16xf32> to vector<16xf32>
      %mul3A_226 = arith.constant 11.3137083 : f32
      %mul3A_227 = vector.broadcast %mul3A_226 : f32 to vector<16xf32>
      %mul3A_228 = arith.mulf %get3A_225, %mul3A_227 : vector<16xf32>
      %get3A_229 = arith.index_cast %scan3A_206 : i32 to index
      %get3A_230 = arith.constant 16 : index
      %get3A_231 = tpu.vector_load %arg10[%get3A_229, %get3A_230] {strides = array<i32>} : memref<200x128xf32, #tpu.memory_space<vmem>>, vector<1x16xf32>,
      %get3A_232 = vector.shape_cast %get3A_231 : vector<1x16xf32> to vector<16xf32>
      %add3A_233 = arith.addf %mul3A_228, %get3A_232 : vector<16xf32>
      %swap3A_234 = arith.index_cast %scan3A_206 : i32 to index
      %swap3A_235 = arith.constant 16 : index
      %swap3A_236 = tpu.vector_load %arg8[%swap3A_234, %swap3A_235] {strides = array<i32>} : memref<200x128xf32, #tpu.memory_space<vmem>>, vector<1x16xf32>,
      %swap3A_237 = vector.shape_cast %swap3A_236 : vector<1x16xf32> to vector<16xf32>
      %swap3A_238 = vector.shape_cast %add3A_233 : vector<16xf32> to vector<1x16xf32>
      tpu.vector_store %arg8[%swap3A_234, %swap3A_235], %swap3A_238 {strides = array<i32>} : memref<200x128xf32, #tpu.memory_space<vmem>>, vector<1x16xf32>,
      %get3A_239 = arith.index_cast %scan3A_206 : i32 to index
      %get3A_240 = arith.constant 32 : index
      %get3A_241 = tpu.vector_load %arg8[%get3A_239, %get3A_240] {strides = array<i32>} : memref<200x128xf32, #tpu.memory_space<vmem>>, vector<1x16xf32>,
      %get3A_242 = vector.shape_cast %get3A_241 : vector<1x16xf32> to vector<16xf32>
      %mul3A_243 = arith.constant 11.3137083 : f32
      %mul3A_244 = vector.broadcast %mul3A_243 : f32 to vector<16xf32>
      %mul3A_245 = arith.mulf %get3A_242, %mul3A_244 : vector<16xf32>
      %get3A_246 = arith.index_cast %scan3A_206 : i32 to index
      %get3A_247 = arith.constant 32 : index
      %get3A_248 = tpu.vector_load %arg10[%get3A_246, %get3A_247] {strides = array<i32>} : memref<200x128xf32, #tpu.memory_space<vmem>>, vector<1x16xf32>,
      %get3A_249 = vector.shape_cast %get3A_248 : vector<1x16xf32> to vector<16xf32>
      %add3A_250 = arith.addf %mul3A_245, %get3A_249 : vector<16xf32>
      %swap3A_251 = arith.index_cast %scan3A_206 : i32 to index
      %swap3A_252 = arith.constant 32 : index
      %swap3A_253 = tpu.vector_load %arg8[%swap3A_251, %swap3A_252] {strides = array<i32>} : memref<200x128xf32, #tpu.memory_space<vmem>>, vector<1x16xf32>,
      %swap3A_254 = vector.shape_cast %swap3A_253 : vector<1x16xf32> to vector<16xf32>
      %swap3A_255 = vector.shape_cast %add3A_250 : vector<16xf32> to vector<1x16xf32>
      tpu.vector_store %arg8[%swap3A_251, %swap3A_252], %swap3A_255 {strides = array<i32>} : memref<200x128xf32, #tpu.memory_space<vmem>>, vector<1x16xf32>,
      %get3A_256 = arith.index_cast %scan3A_206 : i32 to index
      %get3A_257 = arith.constant 48 : index
      %get3A_258 = tpu.vector_load %arg8[%get3A_256, %get3A_257] {strides = array<i32>} : memref<200x128xf32, #tpu.memory_space<vmem>>, vector<1x16xf32>,
      %get3A_259 = vector.shape_cast %get3A_258 : vector<1x16xf32> to vector<16xf32>
      %mul3A_260 = arith.constant 11.3137083 : f32
      %mul3A_261 = vector.broadcast %mul3A_260 : f32 to vector<16xf32>
      %mul3A_262 = arith.mulf %get3A_259, %mul3A_261 : vector<16xf32>
      %get3A_263 = arith.index_cast %scan3A_206 : i32 to index
      %get3A_264 = arith.constant 48 : index
      %get3A_265 = tpu.vector_load %arg10[%get3A_263, %get3A_264] {strides = array<i32>} : memref<200x128xf32, #tpu.memory_space<vmem>>, vector<1x16xf32>,
      %get3A_266 = vector.shape_cast %get3A_265 : vector<1x16xf32> to vector<16xf32>
      %add3A_267 = arith.addf %mul3A_262, %get3A_266 : vector<16xf32>
      %swap3A_268 = arith.index_cast %scan3A_206 : i32 to index
      %swap3A_269 = arith.constant 48 : index
      %swap3A_270 = tpu.vector_load %arg8[%swap3A_268, %swap3A_269] {strides = array<i32>} : memref<200x128xf32, #tpu.memory_space<vmem>>, vector<1x16xf32>,
      %swap3A_271 = vector.shape_cast %swap3A_270 : vector<1x16xf32> to vector<16xf32>
      %swap3A_272 = vector.shape_cast %add3A_267 : vector<16xf32> to vector<1x16xf32>
      tpu.vector_store %arg8[%swap3A_268, %swap3A_269], %swap3A_272 {strides = array<i32>} : memref<200x128xf32, #tpu.memory_space<vmem>>, vector<1x16xf32>,
      %get3A_273 = arith.index_cast %scan3A_206 : i32 to index
      %get3A_274 = arith.constant 64 : index
      %get3A_275 = tpu.vector_load %arg8[%get3A_273, %get3A_274] {strides = array<i32>} : memref<200x128xf32, #tpu.memory_space<vmem>>, vector<1x16xf32>,
      %get3A_276 = vector.shape_cast %get3A_275 : vector<1x16xf32> to vector<16xf32>
      %mul3A_277 = arith.constant 11.3137083 : f32
      %mul3A_278 = vector.broadcast %mul3A_277 : f32 to vector<16xf32>
      %mul3A_279 = arith.mulf %get3A_276, %mul3A_278 : vector<16xf32>
      %get3A_280 = arith.index_cast %scan3A_206 : i32 to index
      %get3A_281 = arith.constant 64 : index
      %get3A_282 = tpu.vector_load %arg10[%get3A_280, %get3A_281] {strides = array<i32>} : memref<200x128xf32, #tpu.memory_space<vmem>>, vector<1x16xf32>,
      %get3A_283 = vector.shape_cast %get3A_282 : vector<1x16xf32> to vector<16xf32>
      %add3A_284 = arith.addf %mul3A_279, %get3A_283 : vector<16xf32>
      %swap3A_285 = arith.index_cast %scan3A_206 : i32 to index
      %swap3A_286 = arith.constant 64 : index
      %swap3A_287 = tpu.vector_load %arg8[%swap3A_285, %swap3A_286] {strides = array<i32>} : memref<200x128xf32, #tpu.memory_space<vmem>>, vector<1x16xf32>,
      %swap3A_288 = vector.shape_cast %swap3A_287 : vector<1x16xf32> to vector<16xf32>
      %swap3A_289 = vector.shape_cast %add3A_284 : vector<16xf32> to vector<1x16xf32>
      tpu.vector_store %arg8[%swap3A_285, %swap3A_286], %swap3A_289 {strides = array<i32>} : memref<200x128xf32, #tpu.memory_space<vmem>>, vector<1x16xf32>,
      %get3A_290 = arith.index_cast %scan3A_206 : i32 to index
      %get3A_291 = arith.constant 80 : index
      %get3A_292 = tpu.vector_load %arg8[%get3A_290, %get3A_291] {strides = array<i32>} : memref<200x128xf32, #tpu.memory_space<vmem>>, vector<1x16xf32>,
      %get3A_293 = vector.shape_cast %get3A_292 : vector<1x16xf32> to vector<16xf32>
      %mul3A_294 = arith.constant 11.3137083 : f32
      %mul3A_295 = vector.broadcast %mul3A_294 : f32 to vector<16xf32>
      %mul3A_296 = arith.mulf %get3A_293, %mul3A_295 : vector<16xf32>
      %get3A_297 = arith.index_cast %scan3A_206 : i32 to index
      %get3A_298 = arith.constant 80 : index
      %get3A_299 = tpu.vector_load %arg10[%get3A_297, %get3A_298] {strides = array<i32>} : memref<200x128xf32, #tpu.memory_space<vmem>>, vector<1x16xf32>,
      %get3A_300 = vector.shape_cast %get3A_299 : vector<1x16xf32> to vector<16xf32>
      %add3A_301 = arith.addf %mul3A_296, %get3A_300 : vector<16xf32>
      %swap3A_302 = arith.index_cast %scan3A_206 : i32 to index
      %swap3A_303 = arith.constant 80 : index
      %swap3A_304 = tpu.vector_load %arg8[%swap3A_302, %swap3A_303] {strides = array<i32>} : memref<200x128xf32, #tpu.memory_space<vmem>>, vector<1x16xf32>,
      %swap3A_305 = vector.shape_cast %swap3A_304 : vector<1x16xf32> to vector<16xf32>
      %swap3A_306 = vector.shape_cast %add3A_301 : vector<16xf32> to vector<1x16xf32>
      tpu.vector_store %arg8[%swap3A_302, %swap3A_303], %swap3A_306 {strides = array<i32>} : memref<200x128xf32, #tpu.memory_space<vmem>>, vector<1x16xf32>,
      %get3A_307 = arith.index_cast %scan3A_206 : i32 to index
      %get3A_308 = arith.constant 96 : index
      %get3A_309 = tpu.vector_load %arg8[%get3A_307, %get3A_308] {strides = array<i32>} : memref<200x128xf32, #tpu.memory_space<vmem>>, vector<1x16xf32>,
      %get3A_310 = vector.shape_cast %get3A_309 : vector<1x16xf32> to vector<16xf32>
      %mul3A_311 = arith.constant 11.3137083 : f32
      %mul3A_312 = vector.broadcast %mul3A_311 : f32 to vector<16xf32>
      %mul3A_313 = arith.mulf %get3A_310, %mul3A_312 : vector<16xf32>
      %get3A_314 = arith.index_cast %scan3A_206 : i32 to index
      %get3A_315 = arith.constant 96 : index
      %get3A_316 = tpu.vector_load %arg10[%get3A_314, %get3A_315] {strides = array<i32>} : memref<200x128xf32, #tpu.memory_space<vmem>>, vector<1x16xf32>,
      %get3A_317 = vector.shape_cast %get3A_316 : vector<1x16xf32> to vector<16xf32>
      %add3A_318 = arith.addf %mul3A_313, %get3A_317 : vector<16xf32>
      %swap3A_319 = arith.index_cast %scan3A_206 : i32 to index
      %swap3A_320 = arith.constant 96 : index
      %swap3A_321 = tpu.vector_load %arg8[%swap3A_319, %swap3A_320] {strides = array<i32>} : memref<200x128xf32, #tpu.memory_space<vmem>>, vector<1x16xf32>,
      %swap3A_322 = vector.shape_cast %swap3A_321 : vector<1x16xf32> to vector<16xf32>
      %swap3A_323 = vector.shape_cast %add3A_318 : vector<16xf32> to vector<1x16xf32>
      tpu.vector_store %arg8[%swap3A_319, %swap3A_320], %swap3A_323 {strides = array<i32>} : memref<200x128xf32, #tpu.memory_space<vmem>>, vector<1x16xf32>,
      %get3A_324 = arith.index_cast %scan3A_206 : i32 to index
      %get3A_325 = arith.constant 112 : index
      %get3A_326 = tpu.vector_load %arg8[%get3A_324, %get3A_325] {strides = array<i32>} : memref<200x128xf32, #tpu.memory_space<vmem>>, vector<1x16xf32>,
      %get3A_327 = vector.shape_cast %get3A_326 : vector<1x16xf32> to vector<16xf32>
      %mul3A_328 = arith.constant 11.3137083 : f32
      %mul3A_329 = vector.broadcast %mul3A_328 : f32 to vector<16xf32>
      %mul3A_330 = arith.mulf %get3A_327, %mul3A_329 : vector<16xf32>
      %get3A_331 = arith.index_cast %scan3A_206 : i32 to index
      %get3A_332 = arith.constant 112 : index
      %get3A_333 = tpu.vector_load %arg10[%get3A_331, %get3A_332] {strides = array<i32>} : memref<200x128xf32, #tpu.memory_space<vmem>>, vector<1x16xf32>,
      %get3A_334 = vector.shape_cast %get3A_333 : vector<1x16xf32> to vector<16xf32>
      %add3A_335 = arith.addf %mul3A_330, %get3A_334 : vector<16xf32>
      %swap3A_336 = arith.index_cast %scan3A_206 : i32 to index
      %swap3A_337 = arith.constant 112 : index
      %swap3A_338 = tpu.vector_load %arg8[%swap3A_336, %swap3A_337] {strides = array<i32>} : memref<200x128xf32, #tpu.memory_space<vmem>>, vector<1x16xf32>,
      %swap3A_339 = vector.shape_cast %swap3A_338 : vector<1x16xf32> to vector<16xf32>
      %swap3A_340 = vector.shape_cast %add3A_335 : vector<16xf32> to vector<1x16xf32>
      tpu.vector_store %arg8[%swap3A_336, %swap3A_337], %swap3A_340 {strides = array<i32>} : memref<200x128xf32, #tpu.memory_space<vmem>>, vector<1x16xf32>,
    }
    %scan3A_83 = arith.constant 200 : i32
    %add3A_84 = arith.constant 5600 : i32
    %add3A_85 = arith.addi %mul3A_2, %add3A_84 : i32
    %dma_start3A_86 = arith.constant 0 : i32
    %dma_start3A_87 = tpu.memref_slice %arg5[%add3A_85, %dma_start3A_86] : memref<204800x128xf32, #tpu.memory_space<hbm>> -> memref<200x128xf32, #tpu.memory_space<hbm>>
    %dma_start3A_88 = arith.constant 0 : i32
    %dma_start3A_89 = tpu.memref_slice %arg5[%add3A_85, %dma_start3A_88] : memref<204800x128xf32, #tpu.memory_space<hbm>> -> memref<200x128xf32, #tpu.memory_space<hbm>>
    tpu.enqueue_dma source(%arg8 : memref<200x128xf32, #tpu.memory_space<vmem>>) target(%dma_start3A_89 : memref<200x128xf32, #tpu.memory_space<hbm>>) target_semaphore(%arg15 : memref<!tpu.dma_semaphore, #tpu.memory_space<semaphore_mem>>)
    %dma_wait3A_90 = arith.constant 0 : i32
    %dma_wait3A_91 = arith.constant 0 : i32
    %dma_wait3A_92 = tpu.memref_slice %arg5[%dma_wait3A_90, %dma_wait3A_91] : memref<204800x128xf32, #tpu.memory_space<hbm>> -> memref<200x128xf32, #tpu.memory_space<hbm>>
    %dma_wait3A_93 = arith.constant 0 : i32
    %dma_wait3A_94 = arith.constant 0 : i32
    %dma_wait3A_95 = tpu.memref_slice %arg5[%dma_wait3A_93, %dma_wait3A_94] : memref<204800x128xf32, #tpu.memory_space<hbm>> -> memref<200x128xf32, #tpu.memory_space<hbm>>
    tpu.wait_dma2 semaphore(%arg14 : memref<!tpu.dma_semaphore, #tpu.memory_space<semaphore_mem>>) src(%arg7 : memref<200x128xf32, #tpu.memory_space<vmem>>) dst(%dma_wait3A_95 : memref<200x128xf32, #tpu.memory_space<hbm>>)
    %dma_start3A_96 = arith.constant 0 : i32
    %dma_start3A_97 = arith.constant 0 : i32
    %dma_start3A_98 = tpu.memref_slice %arg7[%dma_start3A_96, %dma_start3A_97] : memref<200x128xf32, #tpu.memory_space<vmem>> -> memref<96x128xf32, #tpu.memory_space<vmem>>
    %dma_start3A_99 = arith.constant 6000 : i32
    %dma_start3A_100 = tpu.memref_slice %arg6[%dma_start3A_99] : memref<6400xi32, #tpu.memory_space<vmem>> -> memref<96xi32, #tpu.memory_space<vmem>>
    %dma_start3A_101 = arith.constant 0 : i32
    %dma_start3A_102 = arith.constant 0 : i32
    %dma_start3A_103 = tpu.memref_slice %arg2[%dma_start3A_101, %dma_start3A_102] : memref<100000x128xf32, #tpu.memory_space<hbm>> -> memref<100000x128xf32, #tpu.memory_space<hbm>>
    tpu.enqueue_indirect_dma source(%dma_start3A_103 : memref<100000x128xf32, #tpu.memory_space<hbm>>) target(%dma_start3A_98 : memref<96x128xf32, #tpu.memory_space<vmem>>) offsets(%dma_start3A_100 : memref<96xi32, #tpu.memory_space<vmem>>) semaphore(%arg11 : memref<!tpu.dma_semaphore, #tpu.memory_space<semaphore_mem>>)
    %dma_start3A_104 = arith.constant 96 : i32
    %dma_start3A_105 = arith.constant 0 : i32
    %dma_start3A_106 = tpu.memref_slice %arg7[%dma_start3A_104, %dma_start3A_105] : memref<200x128xf32, #tpu.memory_space<vmem>> -> memref<104x128xf32, #tpu.memory_space<vmem>>
    %dma_start3A_107 = arith.constant 6096 : i32
    %dma_start3A_108 = tpu.memref_slice %arg6[%dma_start3A_107] : memref<6400xi32, #tpu.memory_space<vmem>> -> memref<104xi32, #tpu.memory_space<vmem>>
    %dma_start3A_109 = arith.constant 0 : i32
    %dma_start3A_110 = arith.constant 0 : i32
    %dma_start3A_111 = tpu.memref_slice %arg2[%dma_start3A_109, %dma_start3A_110] : memref<100000x128xf32, #tpu.memory_space<hbm>> -> memref<100000x128xf32, #tpu.memory_space<hbm>>
    tpu.enqueue_indirect_dma source(%dma_start3A_111 : memref<100000x128xf32, #tpu.memory_space<hbm>>) target(%dma_start3A_106 : memref<104x128xf32, #tpu.memory_space<vmem>>) offsets(%dma_start3A_108 : memref<104xi32, #tpu.memory_space<vmem>>) semaphore(%arg11 : memref<!tpu.dma_semaphore, #tpu.memory_space<semaphore_mem>>)
    %dma_wait3A_112 = arith.constant 0 : i32
    %dma_wait3A_113 = arith.constant 0 : i32
    %dma_wait3A_114 = tpu.memref_slice %arg2[%dma_wait3A_112, %dma_wait3A_113] : memref<100000x128xf32, #tpu.memory_space<hbm>> -> memref<200x128xf32, #tpu.memory_space<hbm>>
    %dma_wait3A_115 = arith.constant 0 : i32
    %dma_wait3A_116 = arith.constant 0 : i32
    %dma_wait3A_117 = tpu.memref_slice %arg2[%dma_wait3A_115, %dma_wait3A_116] : memref<100000x128xf32, #tpu.memory_space<hbm>> -> memref<200x128xf32, #tpu.memory_space<hbm>>
    tpu.wait_dma2 semaphore(%arg13 : memref<!tpu.dma_semaphore, #tpu.memory_space<semaphore_mem>>) src(%dma_wait3A_117 : memref<200x128xf32, #tpu.memory_space<hbm>>) dst(%arg9 : memref<200x128xf32, #tpu.memory_space<vmem>>)
    %scan3A_118 = arith.constant 0 : i32
    %scan3A_119 = arith.constant 0 : i32
    %scan3A_120 = arith.constant 200 : i32
    %scan3A_121 = arith.addi %scan3A_119, %scan3A_120 : i32
    %scan3A_122 = arith.constant 1 : i32
    scf.for %scan3A_206 = %scan3A_119 to %scan3A_121 step %scan3A_122  : i32 {
      %get3A = arith.index_cast %scan3A_206 : i32 to index
      %get3A_207 = arith.constant 0 : index
      %get3A_208 = tpu.vector_load %arg9[%get3A, %get3A_207] {strides = array<i32>} : memref<200x128xf32, #tpu.memory_space<vmem>>, vector<1x16xf32>,
      %get3A_209 = vector.shape_cast %get3A_208 : vector<1x16xf32> to vector<16xf32>
      %mul3A_210 = arith.constant 11.3137083 : f32
      %mul3A_211 = vector.broadcast %mul3A_210 : f32 to vector<16xf32>
      %mul3A_212 = arith.mulf %get3A_209, %mul3A_211 : vector<16xf32>
      %get3A_213 = arith.index_cast %scan3A_206 : i32 to index
      %get3A_214 = arith.constant 0 : index
      %get3A_215 = tpu.vector_load %arg10[%get3A_213, %get3A_214] {strides = array<i32>} : memref<200x128xf32, #tpu.memory_space<vmem>>, vector<1x16xf32>,
      %get3A_216 = vector.shape_cast %get3A_215 : vector<1x16xf32> to vector<16xf32>
      %add3A_217 = arith.addf %mul3A_212, %get3A_216 : vector<16xf32>
      %swap3A = arith.index_cast %scan3A_206 : i32 to index
      %swap3A_218 = arith.constant 0 : index
      %swap3A_219 = tpu.vector_load %arg9[%swap3A, %swap3A_218] {strides = array<i32>} : memref<200x128xf32, #tpu.memory_space<vmem>>, vector<1x16xf32>,
      %swap3A_220 = vector.shape_cast %swap3A_219 : vector<1x16xf32> to vector<16xf32>
      %swap3A_221 = vector.shape_cast %add3A_217 : vector<16xf32> to vector<1x16xf32>
      tpu.vector_store %arg9[%swap3A, %swap3A_218], %swap3A_221 {strides = array<i32>} : memref<200x128xf32, #tpu.memory_space<vmem>>, vector<1x16xf32>,
      %get3A_222 = arith.index_cast %scan3A_206 : i32 to index
      %get3A_223 = arith.constant 16 : index
      %get3A_224 = tpu.vector_load %arg9[%get3A_222, %get3A_223] {strides = array<i32>} : memref<200x128xf32, #tpu.memory_space<vmem>>, vector<1x16xf32>,
      %get3A_225 = vector.shape_cast %get3A_224 : vector<1x16xf32> to vector<16xf32>
      %mul3A_226 = arith.constant 11.3137083 : f32
      %mul3A_227 = vector.broadcast %mul3A_226 : f32 to vector<16xf32>
      %mul3A_228 = arith.mulf %get3A_225, %mul3A_227 : vector<16xf32>
      %get3A_229 = arith.index_cast %scan3A_206 : i32 to index
      %get3A_230 = arith.constant 16 : index
      %get3A_231 = tpu.vector_load %arg10[%get3A_229, %get3A_230] {strides = array<i32>} : memref<200x128xf32, #tpu.memory_space<vmem>>, vector<1x16xf32>,
      %get3A_232 = vector.shape_cast %get3A_231 : vector<1x16xf32> to vector<16xf32>
      %add3A_233 = arith.addf %mul3A_228, %get3A_232 : vector<16xf32>
      %swap3A_234 = arith.index_cast %scan3A_206 : i32 to index
      %swap3A_235 = arith.constant 16 : index
      %swap3A_236 = tpu.vector_load %arg9[%swap3A_234, %swap3A_235] {strides = array<i32>} : memref<200x128xf32, #tpu.memory_space<vmem>>, vector<1x16xf32>,
      %swap3A_237 = vector.shape_cast %swap3A_236 : vector<1x16xf32> to vector<16xf32>
      %swap3A_238 = vector.shape_cast %add3A_233 : vector<16xf32> to vector<1x16xf32>
      tpu.vector_store %arg9[%swap3A_234, %swap3A_235], %swap3A_238 {strides = array<i32>} : memref<200x128xf32, #tpu.memory_space<vmem>>, vector<1x16xf32>,
      %get3A_239 = arith.index_cast %scan3A_206 : i32 to index
      %get3A_240 = arith.constant 32 : index
      %get3A_241 = tpu.vector_load %arg9[%get3A_239, %get3A_240] {strides = array<i32>} : memref<200x128xf32, #tpu.memory_space<vmem>>, vector<1x16xf32>,
      %get3A_242 = vector.shape_cast %get3A_241 : vector<1x16xf32> to vector<16xf32>
      %mul3A_243 = arith.constant 11.3137083 : f32
      %mul3A_244 = vector.broadcast %mul3A_243 : f32 to vector<16xf32>
      %mul3A_245 = arith.mulf %get3A_242, %mul3A_244 : vector<16xf32>
      %get3A_246 = arith.index_cast %scan3A_206 : i32 to index
      %get3A_247 = arith.constant 32 : index
      %get3A_248 = tpu.vector_load %arg10[%get3A_246, %get3A_247] {strides = array<i32>} : memref<200x128xf32, #tpu.memory_space<vmem>>, vector<1x16xf32>,
      %get3A_249 = vector.shape_cast %get3A_248 : vector<1x16xf32> to vector<16xf32>
      %add3A_250 = arith.addf %mul3A_245, %get3A_249 : vector<16xf32>
      %swap3A_251 = arith.index_cast %scan3A_206 : i32 to index
      %swap3A_252 = arith.constant 32 : index
      %swap3A_253 = tpu.vector_load %arg9[%swap3A_251, %swap3A_252] {strides = array<i32>} : memref<200x128xf32, #tpu.memory_space<vmem>>, vector<1x16xf32>,
      %swap3A_254 = vector.shape_cast %swap3A_253 : vector<1x16xf32> to vector<16xf32>
      %swap3A_255 = vector.shape_cast %add3A_250 : vector<16xf32> to vector<1x16xf32>
      tpu.vector_store %arg9[%swap3A_251, %swap3A_252], %swap3A_255 {strides = array<i32>} : memref<200x128xf32, #tpu.memory_space<vmem>>, vector<1x16xf32>,
      %get3A_256 = arith.index_cast %scan3A_206 : i32 to index
      %get3A_257 = arith.constant 48 : index
      %get3A_258 = tpu.vector_load %arg9[%get3A_256, %get3A_257] {strides = array<i32>} : memref<200x128xf32, #tpu.memory_space<vmem>>, vector<1x16xf32>,
      %get3A_259 = vector.shape_cast %get3A_258 : vector<1x16xf32> to vector<16xf32>
      %mul3A_260 = arith.constant 11.3137083 : f32
      %mul3A_261 = vector.broadcast %mul3A_260 : f32 to vector<16xf32>
      %mul3A_262 = arith.mulf %get3A_259, %mul3A_261 : vector<16xf32>
      %get3A_263 = arith.index_cast %scan3A_206 : i32 to index
      %get3A_264 = arith.constant 48 : index
      %get3A_265 = tpu.vector_load %arg10[%get3A_263, %get3A_264] {strides = array<i32>} : memref<200x128xf32, #tpu.memory_space<vmem>>, vector<1x16xf32>,
      %get3A_266 = vector.shape_cast %get3A_265 : vector<1x16xf32> to vector<16xf32>
      %add3A_267 = arith.addf %mul3A_262, %get3A_266 : vector<16xf32>
      %swap3A_268 = arith.index_cast %scan3A_206 : i32 to index
      %swap3A_269 = arith.constant 48 : index
      %swap3A_270 = tpu.vector_load %arg9[%swap3A_268, %swap3A_269] {strides = array<i32>} : memref<200x128xf32, #tpu.memory_space<vmem>>, vector<1x16xf32>,
      %swap3A_271 = vector.shape_cast %swap3A_270 : vector<1x16xf32> to vector<16xf32>
      %swap3A_272 = vector.shape_cast %add3A_267 : vector<16xf32> to vector<1x16xf32>
      tpu.vector_store %arg9[%swap3A_268, %swap3A_269], %swap3A_272 {strides = array<i32>} : memref<200x128xf32, #tpu.memory_space<vmem>>, vector<1x16xf32>,
      %get3A_273 = arith.index_cast %scan3A_206 : i32 to index
      %get3A_274 = arith.constant 64 : index
      %get3A_275 = tpu.vector_load %arg9[%get3A_273, %get3A_274] {strides = array<i32>} : memref<200x128xf32, #tpu.memory_space<vmem>>, vector<1x16xf32>,
      %get3A_276 = vector.shape_cast %get3A_275 : vector<1x16xf32> to vector<16xf32>
      %mul3A_277 = arith.constant 11.3137083 : f32
      %mul3A_278 = vector.broadcast %mul3A_277 : f32 to vector<16xf32>
      %mul3A_279 = arith.mulf %get3A_276, %mul3A_278 : vector<16xf32>
      %get3A_280 = arith.index_cast %scan3A_206 : i32 to index
      %get3A_281 = arith.constant 64 : index
      %get3A_282 = tpu.vector_load %arg10[%get3A_280, %get3A_281] {strides = array<i32>} : memref<200x128xf32, #tpu.memory_space<vmem>>, vector<1x16xf32>,
      %get3A_283 = vector.shape_cast %get3A_282 : vector<1x16xf32> to vector<16xf32>
      %add3A_284 = arith.addf %mul3A_279, %get3A_283 : vector<16xf32>
      %swap3A_285 = arith.index_cast %scan3A_206 : i32 to index
      %swap3A_286 = arith.constant 64 : index
      %swap3A_287 = tpu.vector_load %arg9[%swap3A_285, %swap3A_286] {strides = array<i32>} : memref<200x128xf32, #tpu.memory_space<vmem>>, vector<1x16xf32>,
      %swap3A_288 = vector.shape_cast %swap3A_287 : vector<1x16xf32> to vector<16xf32>
      %swap3A_289 = vector.shape_cast %add3A_284 : vector<16xf32> to vector<1x16xf32>
      tpu.vector_store %arg9[%swap3A_285, %swap3A_286], %swap3A_289 {strides = array<i32>} : memref<200x128xf32, #tpu.memory_space<vmem>>, vector<1x16xf32>,
      %get3A_290 = arith.index_cast %scan3A_206 : i32 to index
      %get3A_291 = arith.constant 80 : index
      %get3A_292 = tpu.vector_load %arg9[%get3A_290, %get3A_291] {strides = array<i32>} : memref<200x128xf32, #tpu.memory_space<vmem>>, vector<1x16xf32>,
      %get3A_293 = vector.shape_cast %get3A_292 : vector<1x16xf32> to vector<16xf32>
      %mul3A_294 = arith.constant 11.3137083 : f32
      %mul3A_295 = vector.broadcast %mul3A_294 : f32 to vector<16xf32>
      %mul3A_296 = arith.mulf %get3A_293, %mul3A_295 : vector<16xf32>
      %get3A_297 = arith.index_cast %scan3A_206 : i32 to index
      %get3A_298 = arith.constant 80 : index
      %get3A_299 = tpu.vector_load %arg10[%get3A_297, %get3A_298] {strides = array<i32>} : memref<200x128xf32, #tpu.memory_space<vmem>>, vector<1x16xf32>,
      %get3A_300 = vector.shape_cast %get3A_299 : vector<1x16xf32> to vector<16xf32>
      %add3A_301 = arith.addf %mul3A_296, %get3A_300 : vector<16xf32>
      %swap3A_302 = arith.index_cast %scan3A_206 : i32 to index
      %swap3A_303 = arith.constant 80 : index
      %swap3A_304 = tpu.vector_load %arg9[%swap3A_302, %swap3A_303] {strides = array<i32>} : memref<200x128xf32, #tpu.memory_space<vmem>>, vector<1x16xf32>,
      %swap3A_305 = vector.shape_cast %swap3A_304 : vector<1x16xf32> to vector<16xf32>
      %swap3A_306 = vector.shape_cast %add3A_301 : vector<16xf32> to vector<1x16xf32>
      tpu.vector_store %arg9[%swap3A_302, %swap3A_303], %swap3A_306 {strides = array<i32>} : memref<200x128xf32, #tpu.memory_space<vmem>>, vector<1x16xf32>,
      %get3A_307 = arith.index_cast %scan3A_206 : i32 to index
      %get3A_308 = arith.constant 96 : index
      %get3A_309 = tpu.vector_load %arg9[%get3A_307, %get3A_308] {strides = array<i32>} : memref<200x128xf32, #tpu.memory_space<vmem>>, vector<1x16xf32>,
      %get3A_310 = vector.shape_cast %get3A_309 : vector<1x16xf32> to vector<16xf32>
      %mul3A_311 = arith.constant 11.3137083 : f32
      %mul3A_312 = vector.broadcast %mul3A_311 : f32 to vector<16xf32>
      %mul3A_313 = arith.mulf %get3A_310, %mul3A_312 : vector<16xf32>
      %get3A_314 = arith.index_cast %scan3A_206 : i32 to index
      %get3A_315 = arith.constant 96 : index
      %get3A_316 = tpu.vector_load %arg10[%get3A_314, %get3A_315] {strides = array<i32>} : memref<200x128xf32, #tpu.memory_space<vmem>>, vector<1x16xf32>,
      %get3A_317 = vector.shape_cast %get3A_316 : vector<1x16xf32> to vector<16xf32>
      %add3A_318 = arith.addf %mul3A_313, %get3A_317 : vector<16xf32>
      %swap3A_319 = arith.index_cast %scan3A_206 : i32 to index
      %swap3A_320 = arith.constant 96 : index
      %swap3A_321 = tpu.vector_load %arg9[%swap3A_319, %swap3A_320] {strides = array<i32>} : memref<200x128xf32, #tpu.memory_space<vmem>>, vector<1x16xf32>,
      %swap3A_322 = vector.shape_cast %swap3A_321 : vector<1x16xf32> to vector<16xf32>
      %swap3A_323 = vector.shape_cast %add3A_318 : vector<16xf32> to vector<1x16xf32>
      tpu.vector_store %arg9[%swap3A_319, %swap3A_320], %swap3A_323 {strides = array<i32>} : memref<200x128xf32, #tpu.memory_space<vmem>>, vector<1x16xf32>,
      %get3A_324 = arith.index_cast %scan3A_206 : i32 to index
      %get3A_325 = arith.constant 112 : index
      %get3A_326 = tpu.vector_load %arg9[%get3A_324, %get3A_325] {strides = array<i32>} : memref<200x128xf32, #tpu.memory_space<vmem>>, vector<1x16xf32>,
      %get3A_327 = vector.shape_cast %get3A_326 : vector<1x16xf32> to vector<16xf32>
      %mul3A_328 = arith.constant 11.3137083 : f32
      %mul3A_329 = vector.broadcast %mul3A_328 : f32 to vector<16xf32>
      %mul3A_330 = arith.mulf %get3A_327, %mul3A_329 : vector<16xf32>
      %get3A_331 = arith.index_cast %scan3A_206 : i32 to index
      %get3A_332 = arith.constant 112 : index
      %get3A_333 = tpu.vector_load %arg10[%get3A_331, %get3A_332] {strides = array<i32>} : memref<200x128xf32, #tpu.memory_space<vmem>>, vector<1x16xf32>,
      %get3A_334 = vector.shape_cast %get3A_333 : vector<1x16xf32> to vector<16xf32>
      %add3A_335 = arith.addf %mul3A_330, %get3A_334 : vector<16xf32>
      %swap3A_336 = arith.index_cast %scan3A_206 : i32 to index
      %swap3A_337 = arith.constant 112 : index
      %swap3A_338 = tpu.vector_load %arg9[%swap3A_336, %swap3A_337] {strides = array<i32>} : memref<200x128xf32, #tpu.memory_space<vmem>>, vector<1x16xf32>,
      %swap3A_339 = vector.shape_cast %swap3A_338 : vector<1x16xf32> to vector<16xf32>
      %swap3A_340 = vector.shape_cast %add3A_335 : vector<16xf32> to vector<1x16xf32>
      tpu.vector_store %arg9[%swap3A_336, %swap3A_337], %swap3A_340 {strides = array<i32>} : memref<200x128xf32, #tpu.memory_space<vmem>>, vector<1x16xf32>,
    }
    %scan3A_123 = arith.constant 200 : i32
    %add3A_124 = arith.constant 5800 : i32
    %add3A_125 = arith.addi %mul3A_2, %add3A_124 : i32
    %dma_start3A_126 = arith.constant 0 : i32
    %dma_start3A_127 = tpu.memref_slice %arg5[%add3A_125, %dma_start3A_126] : memref<204800x128xf32, #tpu.memory_space<hbm>> -> memref<200x128xf32, #tpu.memory_space<hbm>>
    %dma_start3A_128 = arith.constant 0 : i32
    %dma_start3A_129 = tpu.memref_slice %arg5[%add3A_125, %dma_start3A_128] : memref<204800x128xf32, #tpu.memory_space<hbm>> -> memref<200x128xf32, #tpu.memory_space<hbm>>
    tpu.enqueue_dma source(%arg9 : memref<200x128xf32, #tpu.memory_space<vmem>>) target(%dma_start3A_129 : memref<200x128xf32, #tpu.memory_space<hbm>>) target_semaphore(%arg16 : memref<!tpu.dma_semaphore, #tpu.memory_space<semaphore_mem>>)
    %dma_wait3A_130 = arith.constant 0 : i32
    %dma_wait3A_131 = arith.constant 0 : i32
    %dma_wait3A_132 = tpu.memref_slice %arg5[%dma_wait3A_130, %dma_wait3A_131] : memref<204800x128xf32, #tpu.memory_space<hbm>> -> memref<200x128xf32, #tpu.memory_space<hbm>>
    %dma_wait3A_133 = arith.constant 0 : i32
    %dma_wait3A_134 = arith.constant 0 : i32
    %dma_wait3A_135 = tpu.memref_slice %arg5[%dma_wait3A_133, %dma_wait3A_134] : memref<204800x128xf32, #tpu.memory_space<hbm>> -> memref<200x128xf32, #tpu.memory_space<hbm>>
    tpu.wait_dma2 semaphore(%arg15 : memref<!tpu.dma_semaphore, #tpu.memory_space<semaphore_mem>>) src(%arg8 : memref<200x128xf32, #tpu.memory_space<vmem>>) dst(%dma_wait3A_135 : memref<200x128xf32, #tpu.memory_space<hbm>>)
    %dma_start3A_136 = arith.constant 0 : i32
    %dma_start3A_137 = arith.constant 0 : i32
    %dma_start3A_138 = tpu.memref_slice %arg8[%dma_start3A_136, %dma_start3A_137] : memref<200x128xf32, #tpu.memory_space<vmem>> -> memref<96x128xf32, #tpu.memory_space<vmem>>
    %dma_start3A_139 = arith.constant 6200 : i32
    %dma_start3A_140 = tpu.memref_slice %arg6[%dma_start3A_139] : memref<6400xi32, #tpu.memory_space<vmem>> -> memref<96xi32, #tpu.memory_space<vmem>>
    %dma_start3A_141 = arith.constant 0 : i32
    %dma_start3A_142 = arith.constant 0 : i32
    %dma_start3A_143 = tpu.memref_slice %arg2[%dma_start3A_141, %dma_start3A_142] : memref<100000x128xf32, #tpu.memory_space<hbm>> -> memref<100000x128xf32, #tpu.memory_space<hbm>>
    tpu.enqueue_indirect_dma source(%dma_start3A_143 : memref<100000x128xf32, #tpu.memory_space<hbm>>) target(%dma_start3A_138 : memref<96x128xf32, #tpu.memory_space<vmem>>) offsets(%dma_start3A_140 : memref<96xi32, #tpu.memory_space<vmem>>) semaphore(%arg12 : memref<!tpu.dma_semaphore, #tpu.memory_space<semaphore_mem>>)
    %dma_start3A_144 = arith.constant 96 : i32
    %dma_start3A_145 = arith.constant 0 : i32
    %dma_start3A_146 = tpu.memref_slice %arg8[%dma_start3A_144, %dma_start3A_145] : memref<200x128xf32, #tpu.memory_space<vmem>> -> memref<104x128xf32, #tpu.memory_space<vmem>>
    %dma_start3A_147 = arith.constant 6296 : i32
    %dma_start3A_148 = tpu.memref_slice %arg6[%dma_start3A_147] : memref<6400xi32, #tpu.memory_space<vmem>> -> memref<104xi32, #tpu.memory_space<vmem>>
    %dma_start3A_149 = arith.constant 0 : i32
    %dma_start3A_150 = arith.constant 0 : i32
    %dma_start3A_151 = tpu.memref_slice %arg2[%dma_start3A_149, %dma_start3A_150] : memref<100000x128xf32, #tpu.memory_space<hbm>> -> memref<100000x128xf32, #tpu.memory_space<hbm>>
    tpu.enqueue_indirect_dma source(%dma_start3A_151 : memref<100000x128xf32, #tpu.memory_space<hbm>>) target(%dma_start3A_146 : memref<104x128xf32, #tpu.memory_space<vmem>>) offsets(%dma_start3A_148 : memref<104xi32, #tpu.memory_space<vmem>>) semaphore(%arg12 : memref<!tpu.dma_semaphore, #tpu.memory_space<semaphore_mem>>)
    %dma_wait3A_152 = arith.constant 0 : i32
    %dma_wait3A_153 = arith.constant 0 : i32
    %dma_wait3A_154 = tpu.memref_slice %arg2[%dma_wait3A_152, %dma_wait3A_153] : memref<100000x128xf32, #tpu.memory_space<hbm>> -> memref<200x128xf32, #tpu.memory_space<hbm>>
    %dma_wait3A_155 = arith.constant 0 : i32
    %dma_wait3A_156 = arith.constant 0 : i32
    %dma_wait3A_157 = tpu.memref_slice %arg2[%dma_wait3A_155, %dma_wait3A_156] : memref<100000x128xf32, #tpu.memory_space<hbm>> -> memref<200x128xf32, #tpu.memory_space<hbm>>
    tpu.wait_dma2 semaphore(%arg11 : memref<!tpu.dma_semaphore, #tpu.memory_space<semaphore_mem>>) src(%dma_wait3A_157 : memref<200x128xf32, #tpu.memory_space<hbm>>) dst(%arg7 : memref<200x128xf32, #tpu.memory_space<vmem>>)
    %scan3A_158 = arith.constant 0 : i32
    %scan3A_159 = arith.constant 0 : i32
    %scan3A_160 = arith.constant 200 : i32
    %scan3A_161 = arith.addi %scan3A_159, %scan3A_160 : i32
    %scan3A_162 = arith.constant 1 : i32
    scf.for %scan3A_206 = %scan3A_159 to %scan3A_161 step %scan3A_162  : i32 {
      %get3A = arith.index_cast %scan3A_206 : i32 to index
      %get3A_207 = arith.constant 0 : index
      %get3A_208 = tpu.vector_load %arg7[%get3A, %get3A_207] {strides = array<i32>} : memref<200x128xf32, #tpu.memory_space<vmem>>, vector<1x16xf32>,
      %get3A_209 = vector.shape_cast %get3A_208 : vector<1x16xf32> to vector<16xf32>
      %mul3A_210 = arith.constant 11.3137083 : f32
      %mul3A_211 = vector.broadcast %mul3A_210 : f32 to vector<16xf32>
      %mul3A_212 = arith.mulf %get3A_209, %mul3A_211 : vector<16xf32>
      %get3A_213 = arith.index_cast %scan3A_206 : i32 to index
      %get3A_214 = arith.constant 0 : index
      %get3A_215 = tpu.vector_load %arg10[%get3A_213, %get3A_214] {strides = array<i32>} : memref<200x128xf32, #tpu.memory_space<vmem>>, vector<1x16xf32>,
      %get3A_216 = vector.shape_cast %get3A_215 : vector<1x16xf32> to vector<16xf32>
      %add3A_217 = arith.addf %mul3A_212, %get3A_216 : vector<16xf32>
      %swap3A = arith.index_cast %scan3A_206 : i32 to index
      %swap3A_218 = arith.constant 0 : index
      %swap3A_219 = tpu.vector_load %arg7[%swap3A, %swap3A_218] {strides = array<i32>} : memref<200x128xf32, #tpu.memory_space<vmem>>, vector<1x16xf32>,
      %swap3A_220 = vector.shape_cast %swap3A_219 : vector<1x16xf32> to vector<16xf32>
      %swap3A_221 = vector.shape_cast %add3A_217 : vector<16xf32> to vector<1x16xf32>
      tpu.vector_store %arg7[%swap3A, %swap3A_218], %swap3A_221 {strides = array<i32>} : memref<200x128xf32, #tpu.memory_space<vmem>>, vector<1x16xf32>,
      %get3A_222 = arith.index_cast %scan3A_206 : i32 to index
      %get3A_223 = arith.constant 16 : index
      %get3A_224 = tpu.vector_load %arg7[%get3A_222, %get3A_223] {strides = array<i32>} : memref<200x128xf32, #tpu.memory_space<vmem>>, vector<1x16xf32>,
      %get3A_225 = vector.shape_cast %get3A_224 : vector<1x16xf32> to vector<16xf32>
      %mul3A_226 = arith.constant 11.3137083 : f32
      %mul3A_227 = vector.broadcast %mul3A_226 : f32 to vector<16xf32>
      %mul3A_228 = arith.mulf %get3A_225, %mul3A_227 : vector<16xf32>
      %get3A_229 = arith.index_cast %scan3A_206 : i32 to index
      %get3A_230 = arith.constant 16 : index
      %get3A_231 = tpu.vector_load %arg10[%get3A_229, %get3A_230] {strides = array<i32>} : memref<200x128xf32, #tpu.memory_space<vmem>>, vector<1x16xf32>,
      %get3A_232 = vector.shape_cast %get3A_231 : vector<1x16xf32> to vector<16xf32>
      %add3A_233 = arith.addf %mul3A_228, %get3A_232 : vector<16xf32>
      %swap3A_234 = arith.index_cast %scan3A_206 : i32 to index
      %swap3A_235 = arith.constant 16 : index
      %swap3A_236 = tpu.vector_load %arg7[%swap3A_234, %swap3A_235] {strides = array<i32>} : memref<200x128xf32, #tpu.memory_space<vmem>>, vector<1x16xf32>,
      %swap3A_237 = vector.shape_cast %swap3A_236 : vector<1x16xf32> to vector<16xf32>
      %swap3A_238 = vector.shape_cast %add3A_233 : vector<16xf32> to vector<1x16xf32>
      tpu.vector_store %arg7[%swap3A_234, %swap3A_235], %swap3A_238 {strides = array<i32>} : memref<200x128xf32, #tpu.memory_space<vmem>>, vector<1x16xf32>,
      %get3A_239 = arith.index_cast %scan3A_206 : i32 to index
      %get3A_240 = arith.constant 32 : index
      %get3A_241 = tpu.vector_load %arg7[%get3A_239, %get3A_240] {strides = array<i32>} : memref<200x128xf32, #tpu.memory_space<vmem>>, vector<1x16xf32>,
      %get3A_242 = vector.shape_cast %get3A_241 : vector<1x16xf32> to vector<16xf32>
      %mul3A_243 = arith.constant 11.3137083 : f32
      %mul3A_244 = vector.broadcast %mul3A_243 : f32 to vector<16xf32>
      %mul3A_245 = arith.mulf %get3A_242, %mul3A_244 : vector<16xf32>
      %get3A_246 = arith.index_cast %scan3A_206 : i32 to index
      %get3A_247 = arith.constant 32 : index
      %get3A_248 = tpu.vector_load %arg10[%get3A_246, %get3A_247] {strides = array<i32>} : memref<200x128xf32, #tpu.memory_space<vmem>>, vector<1x16xf32>,
      %get3A_249 = vector.shape_cast %get3A_248 : vector<1x16xf32> to vector<16xf32>
      %add3A_250 = arith.addf %mul3A_245, %get3A_249 : vector<16xf32>
      %swap3A_251 = arith.index_cast %scan3A_206 : i32 to index
      %swap3A_252 = arith.constant 32 : index
      %swap3A_253 = tpu.vector_load %arg7[%swap3A_251, %swap3A_252] {strides = array<i32>} : memref<200x128xf32, #tpu.memory_space<vmem>>, vector<1x16xf32>,
      %swap3A_254 = vector.shape_cast %swap3A_253 : vector<1x16xf32> to vector<16xf32>
      %swap3A_255 = vector.shape_cast %add3A_250 : vector<16xf32> to vector<1x16xf32>
      tpu.vector_store %arg7[%swap3A_251, %swap3A_252], %swap3A_255 {strides = array<i32>} : memref<200x128xf32, #tpu.memory_space<vmem>>, vector<1x16xf32>,
      %get3A_256 = arith.index_cast %scan3A_206 : i32 to index
      %get3A_257 = arith.constant 48 : index
      %get3A_258 = tpu.vector_load %arg7[%get3A_256, %get3A_257] {strides = array<i32>} : memref<200x128xf32, #tpu.memory_space<vmem>>, vector<1x16xf32>,
      %get3A_259 = vector.shape_cast %get3A_258 : vector<1x16xf32> to vector<16xf32>
      %mul3A_260 = arith.constant 11.3137083 : f32
      %mul3A_261 = vector.broadcast %mul3A_260 : f32 to vector<16xf32>
      %mul3A_262 = arith.mulf %get3A_259, %mul3A_261 : vector<16xf32>
      %get3A_263 = arith.index_cast %scan3A_206 : i32 to index
      %get3A_264 = arith.constant 48 : index
      %get3A_265 = tpu.vector_load %arg10[%get3A_263, %get3A_264] {strides = array<i32>} : memref<200x128xf32, #tpu.memory_space<vmem>>, vector<1x16xf32>,
      %get3A_266 = vector.shape_cast %get3A_265 : vector<1x16xf32> to vector<16xf32>
      %add3A_267 = arith.addf %mul3A_262, %get3A_266 : vector<16xf32>
      %swap3A_268 = arith.index_cast %scan3A_206 : i32 to index
      %swap3A_269 = arith.constant 48 : index
      %swap3A_270 = tpu.vector_load %arg7[%swap3A_268, %swap3A_269] {strides = array<i32>} : memref<200x128xf32, #tpu.memory_space<vmem>>, vector<1x16xf32>,
      %swap3A_271 = vector.shape_cast %swap3A_270 : vector<1x16xf32> to vector<16xf32>
      %swap3A_272 = vector.shape_cast %add3A_267 : vector<16xf32> to vector<1x16xf32>
      tpu.vector_store %arg7[%swap3A_268, %swap3A_269], %swap3A_272 {strides = array<i32>} : memref<200x128xf32, #tpu.memory_space<vmem>>, vector<1x16xf32>,
      %get3A_273 = arith.index_cast %scan3A_206 : i32 to index
      %get3A_274 = arith.constant 64 : index
      %get3A_275 = tpu.vector_load %arg7[%get3A_273, %get3A_274] {strides = array<i32>} : memref<200x128xf32, #tpu.memory_space<vmem>>, vector<1x16xf32>,
      %get3A_276 = vector.shape_cast %get3A_275 : vector<1x16xf32> to vector<16xf32>
      %mul3A_277 = arith.constant 11.3137083 : f32
      %mul3A_278 = vector.broadcast %mul3A_277 : f32 to vector<16xf32>
      %mul3A_279 = arith.mulf %get3A_276, %mul3A_278 : vector<16xf32>
      %get3A_280 = arith.index_cast %scan3A_206 : i32 to index
      %get3A_281 = arith.constant 64 : index
      %get3A_282 = tpu.vector_load %arg10[%get3A_280, %get3A_281] {strides = array<i32>} : memref<200x128xf32, #tpu.memory_space<vmem>>, vector<1x16xf32>,
      %get3A_283 = vector.shape_cast %get3A_282 : vector<1x16xf32> to vector<16xf32>
      %add3A_284 = arith.addf %mul3A_279, %get3A_283 : vector<16xf32>
      %swap3A_285 = arith.index_cast %scan3A_206 : i32 to index
      %swap3A_286 = arith.constant 64 : index
      %swap3A_287 = tpu.vector_load %arg7[%swap3A_285, %swap3A_286] {strides = array<i32>} : memref<200x128xf32, #tpu.memory_space<vmem>>, vector<1x16xf32>,
      %swap3A_288 = vector.shape_cast %swap3A_287 : vector<1x16xf32> to vector<16xf32>
      %swap3A_289 = vector.shape_cast %add3A_284 : vector<16xf32> to vector<1x16xf32>
      tpu.vector_store %arg7[%swap3A_285, %swap3A_286], %swap3A_289 {strides = array<i32>} : memref<200x128xf32, #tpu.memory_space<vmem>>, vector<1x16xf32>,
      %get3A_290 = arith.index_cast %scan3A_206 : i32 to index
      %get3A_291 = arith.constant 80 : index
      %get3A_292 = tpu.vector_load %arg7[%get3A_290, %get3A_291] {strides = array<i32>} : memref<200x128xf32, #tpu.memory_space<vmem>>, vector<1x16xf32>,
      %get3A_293 = vector.shape_cast %get3A_292 : vector<1x16xf32> to vector<16xf32>
      %mul3A_294 = arith.constant 11.3137083 : f32
      %mul3A_295 = vector.broadcast %mul3A_294 : f32 to vector<16xf32>
      %mul3A_296 = arith.mulf %get3A_293, %mul3A_295 : vector<16xf32>
      %get3A_297 = arith.index_cast %scan3A_206 : i32 to index
      %get3A_298 = arith.constant 80 : index
      %get3A_299 = tpu.vector_load %arg10[%get3A_297, %get3A_298] {strides = array<i32>} : memref<200x128xf32, #tpu.memory_space<vmem>>, vector<1x16xf32>,
      %get3A_300 = vector.shape_cast %get3A_299 : vector<1x16xf32> to vector<16xf32>
      %add3A_301 = arith.addf %mul3A_296, %get3A_300 : vector<16xf32>
      %swap3A_302 = arith.index_cast %scan3A_206 : i32 to index
      %swap3A_303 = arith.constant 80 : index
      %swap3A_304 = tpu.vector_load %arg7[%swap3A_302, %swap3A_303] {strides = array<i32>} : memref<200x128xf32, #tpu.memory_space<vmem>>, vector<1x16xf32>,
      %swap3A_305 = vector.shape_cast %swap3A_304 : vector<1x16xf32> to vector<16xf32>
      %swap3A_306 = vector.shape_cast %add3A_301 : vector<16xf32> to vector<1x16xf32>
      tpu.vector_store %arg7[%swap3A_302, %swap3A_303], %swap3A_306 {strides = array<i32>} : memref<200x128xf32, #tpu.memory_space<vmem>>, vector<1x16xf32>,
      %get3A_307 = arith.index_cast %scan3A_206 : i32 to index
      %get3A_308 = arith.constant 96 : index
      %get3A_309 = tpu.vector_load %arg7[%get3A_307, %get3A_308] {strides = array<i32>} : memref<200x128xf32, #tpu.memory_space<vmem>>, vector<1x16xf32>,
      %get3A_310 = vector.shape_cast %get3A_309 : vector<1x16xf32> to vector<16xf32>
      %mul3A_311 = arith.constant 11.3137083 : f32
      %mul3A_312 = vector.broadcast %mul3A_311 : f32 to vector<16xf32>
      %mul3A_313 = arith.mulf %get3A_310, %mul3A_312 : vector<16xf32>
      %get3A_314 = arith.index_cast %scan3A_206 : i32 to index
      %get3A_315 = arith.constant 96 : index
      %get3A_316 = tpu.vector_load %arg10[%get3A_314, %get3A_315] {strides = array<i32>} : memref<200x128xf32, #tpu.memory_space<vmem>>, vector<1x16xf32>,
      %get3A_317 = vector.shape_cast %get3A_316 : vector<1x16xf32> to vector<16xf32>
      %add3A_318 = arith.addf %mul3A_313, %get3A_317 : vector<16xf32>
      %swap3A_319 = arith.index_cast %scan3A_206 : i32 to index
      %swap3A_320 = arith.constant 96 : index
      %swap3A_321 = tpu.vector_load %arg7[%swap3A_319, %swap3A_320] {strides = array<i32>} : memref<200x128xf32, #tpu.memory_space<vmem>>, vector<1x16xf32>,
      %swap3A_322 = vector.shape_cast %swap3A_321 : vector<1x16xf32> to vector<16xf32>
      %swap3A_323 = vector.shape_cast %add3A_318 : vector<16xf32> to vector<1x16xf32>
      tpu.vector_store %arg7[%swap3A_319, %swap3A_320], %swap3A_323 {strides = array<i32>} : memref<200x128xf32, #tpu.memory_space<vmem>>, vector<1x16xf32>,
      %get3A_324 = arith.index_cast %scan3A_206 : i32 to index
      %get3A_325 = arith.constant 112 : index
      %get3A_326 = tpu.vector_load %arg7[%get3A_324, %get3A_325] {strides = array<i32>} : memref<200x128xf32, #tpu.memory_space<vmem>>, vector<1x16xf32>,
      %get3A_327 = vector.shape_cast %get3A_326 : vector<1x16xf32> to vector<16xf32>
      %mul3A_328 = arith.constant 11.3137083 : f32
      %mul3A_329 = vector.broadcast %mul3A_328 : f32 to vector<16xf32>
      %mul3A_330 = arith.mulf %get3A_327, %mul3A_329 : vector<16xf32>
      %get3A_331 = arith.index_cast %scan3A_206 : i32 to index
      %get3A_332 = arith.constant 112 : index
      %get3A_333 = tpu.vector_load %arg10[%get3A_331, %get3A_332] {strides = array<i32>} : memref<200x128xf32, #tpu.memory_space<vmem>>, vector<1x16xf32>,
      %get3A_334 = vector.shape_cast %get3A_333 : vector<1x16xf32> to vector<16xf32>
      %add3A_335 = arith.addf %mul3A_330, %get3A_334 : vector<16xf32>
      %swap3A_336 = arith.index_cast %scan3A_206 : i32 to index
      %swap3A_337 = arith.constant 112 : index
      %swap3A_338 = tpu.vector_load %arg7[%swap3A_336, %swap3A_337] {strides = array<i32>} : memref<200x128xf32, #tpu.memory_space<vmem>>, vector<1x16xf32>,
      %swap3A_339 = vector.shape_cast %swap3A_338 : vector<1x16xf32> to vector<16xf32>
      %swap3A_340 = vector.shape_cast %add3A_335 : vector<16xf32> to vector<1x16xf32>
      tpu.vector_store %arg7[%swap3A_336, %swap3A_337], %swap3A_340 {strides = array<i32>} : memref<200x128xf32, #tpu.memory_space<vmem>>, vector<1x16xf32>,
    }
    %scan3A_163 = arith.constant 200 : i32
    %add3A_164 = arith.constant 6000 : i32
    %add3A_165 = arith.addi %mul3A_2, %add3A_164 : i32
    %dma_start3A_166 = arith.constant 0 : i32
    %dma_start3A_167 = tpu.memref_slice %arg5[%add3A_165, %dma_start3A_166] : memref<204800x128xf32, #tpu.memory_space<hbm>> -> memref<200x128xf32, #tpu.memory_space<hbm>>
    %dma_start3A_168 = arith.constant 0 : i32
    %dma_start3A_169 = tpu.memref_slice %arg5[%add3A_165, %dma_start3A_168] : memref<204800x128xf32, #tpu.memory_space<hbm>> -> memref<200x128xf32, #tpu.memory_space<hbm>>
    tpu.enqueue_dma source(%arg7 : memref<200x128xf32, #tpu.memory_space<vmem>>) target(%dma_start3A_169 : memref<200x128xf32, #tpu.memory_space<hbm>>) target_semaphore(%arg14 : memref<!tpu.dma_semaphore, #tpu.memory_space<semaphore_mem>>)
    %dma_wait3A_170 = arith.constant 0 : i32
    %dma_wait3A_171 = arith.constant 0 : i32
    %dma_wait3A_172 = tpu.memref_slice %arg2[%dma_wait3A_170, %dma_wait3A_171] : memref<100000x128xf32, #tpu.memory_space<hbm>> -> memref<200x128xf32, #tpu.memory_space<hbm>>
    %dma_wait3A_173 = arith.constant 0 : i32
    %dma_wait3A_174 = arith.constant 0 : i32
    %dma_wait3A_175 = tpu.memref_slice %arg2[%dma_wait3A_173, %dma_wait3A_174] : memref<100000x128xf32, #tpu.memory_space<hbm>> -> memref<200x128xf32, #tpu.memory_space<hbm>>
    tpu.wait_dma2 semaphore(%arg12 : memref<!tpu.dma_semaphore, #tpu.memory_space<semaphore_mem>>) src(%dma_wait3A_175 : memref<200x128xf32, #tpu.memory_space<hbm>>) dst(%arg8 : memref<200x128xf32, #tpu.memory_space<vmem>>)
    %scan3A_176 = arith.constant 0 : i32
    %scan3A_177 = arith.constant 0 : i32
    %scan3A_178 = arith.constant 200 : i32
    %scan3A_179 = arith.addi %scan3A_177, %scan3A_178 : i32
    %scan3A_180 = arith.constant 1 : i32
    scf.for %scan3A_206 = %scan3A_177 to %scan3A_179 step %scan3A_180  : i32 {
      %get3A = arith.index_cast %scan3A_206 : i32 to index
      %get3A_207 = arith.constant 0 : index
      %get3A_208 = tpu.vector_load %arg8[%get3A, %get3A_207] {strides = array<i32>} : memref<200x128xf32, #tpu.memory_space<vmem>>, vector<1x16xf32>,
      %get3A_209 = vector.shape_cast %get3A_208 : vector<1x16xf32> to vector<16xf32>
      %mul3A_210 = arith.constant 11.3137083 : f32
      %mul3A_211 = vector.broadcast %mul3A_210 : f32 to vector<16xf32>
      %mul3A_212 = arith.mulf %get3A_209, %mul3A_211 : vector<16xf32>
      %get3A_213 = arith.index_cast %scan3A_206 : i32 to index
      %get3A_214 = arith.constant 0 : index
      %get3A_215 = tpu.vector_load %arg10[%get3A_213, %get3A_214] {strides = array<i32>} : memref<200x128xf32, #tpu.memory_space<vmem>>, vector<1x16xf32>,
      %get3A_216 = vector.shape_cast %get3A_215 : vector<1x16xf32> to vector<16xf32>
      %add3A_217 = arith.addf %mul3A_212, %get3A_216 : vector<16xf32>
      %swap3A = arith.index_cast %scan3A_206 : i32 to index
      %swap3A_218 = arith.constant 0 : index
      %swap3A_219 = tpu.vector_load %arg8[%swap3A, %swap3A_218] {strides = array<i32>} : memref<200x128xf32, #tpu.memory_space<vmem>>, vector<1x16xf32>,
      %swap3A_220 = vector.shape_cast %swap3A_219 : vector<1x16xf32> to vector<16xf32>
      %swap3A_221 = vector.shape_cast %add3A_217 : vector<16xf32> to vector<1x16xf32>
      tpu.vector_store %arg8[%swap3A, %swap3A_218], %swap3A_221 {strides = array<i32>} : memref<200x128xf32, #tpu.memory_space<vmem>>, vector<1x16xf32>,
      %get3A_222 = arith.index_cast %scan3A_206 : i32 to index
      %get3A_223 = arith.constant 16 : index
      %get3A_224 = tpu.vector_load %arg8[%get3A_222, %get3A_223] {strides = array<i32>} : memref<200x128xf32, #tpu.memory_space<vmem>>, vector<1x16xf32>,
      %get3A_225 = vector.shape_cast %get3A_224 : vector<1x16xf32> to vector<16xf32>
      %mul3A_226 = arith.constant 11.3137083 : f32
      %mul3A_227 = vector.broadcast %mul3A_226 : f32 to vector<16xf32>
      %mul3A_228 = arith.mulf %get3A_225, %mul3A_227 : vector<16xf32>
      %get3A_229 = arith.index_cast %scan3A_206 : i32 to index
      %get3A_230 = arith.constant 16 : index
      %get3A_231 = tpu.vector_load %arg10[%get3A_229, %get3A_230] {strides = array<i32>} : memref<200x128xf32, #tpu.memory_space<vmem>>, vector<1x16xf32>,
      %get3A_232 = vector.shape_cast %get3A_231 : vector<1x16xf32> to vector<16xf32>
      %add3A_233 = arith.addf %mul3A_228, %get3A_232 : vector<16xf32>
      %swap3A_234 = arith.index_cast %scan3A_206 : i32 to index
      %swap3A_235 = arith.constant 16 : index
      %swap3A_236 = tpu.vector_load %arg8[%swap3A_234, %swap3A_235] {strides = array<i32>} : memref<200x128xf32, #tpu.memory_space<vmem>>, vector<1x16xf32>,
      %swap3A_237 = vector.shape_cast %swap3A_236 : vector<1x16xf32> to vector<16xf32>
      %swap3A_238 = vector.shape_cast %add3A_233 : vector<16xf32> to vector<1x16xf32>
      tpu.vector_store %arg8[%swap3A_234, %swap3A_235], %swap3A_238 {strides = array<i32>} : memref<200x128xf32, #tpu.memory_space<vmem>>, vector<1x16xf32>,
      %get3A_239 = arith.index_cast %scan3A_206 : i32 to index
      %get3A_240 = arith.constant 32 : index
      %get3A_241 = tpu.vector_load %arg8[%get3A_239, %get3A_240] {strides = array<i32>} : memref<200x128xf32, #tpu.memory_space<vmem>>, vector<1x16xf32>,
      %get3A_242 = vector.shape_cast %get3A_241 : vector<1x16xf32> to vector<16xf32>
      %mul3A_243 = arith.constant 11.3137083 : f32
      %mul3A_244 = vector.broadcast %mul3A_243 : f32 to vector<16xf32>
      %mul3A_245 = arith.mulf %get3A_242, %mul3A_244 : vector<16xf32>
      %get3A_246 = arith.index_cast %scan3A_206 : i32 to index
      %get3A_247 = arith.constant 32 : index
      %get3A_248 = tpu.vector_load %arg10[%get3A_246, %get3A_247] {strides = array<i32>} : memref<200x128xf32, #tpu.memory_space<vmem>>, vector<1x16xf32>,
      %get3A_249 = vector.shape_cast %get3A_248 : vector<1x16xf32> to vector<16xf32>
      %add3A_250 = arith.addf %mul3A_245, %get3A_249 : vector<16xf32>
      %swap3A_251 = arith.index_cast %scan3A_206 : i32 to index
      %swap3A_252 = arith.constant 32 : index
      %swap3A_253 = tpu.vector_load %arg8[%swap3A_251, %swap3A_252] {strides = array<i32>} : memref<200x128xf32, #tpu.memory_space<vmem>>, vector<1x16xf32>,
      %swap3A_254 = vector.shape_cast %swap3A_253 : vector<1x16xf32> to vector<16xf32>
      %swap3A_255 = vector.shape_cast %add3A_250 : vector<16xf32> to vector<1x16xf32>
      tpu.vector_store %arg8[%swap3A_251, %swap3A_252], %swap3A_255 {strides = array<i32>} : memref<200x128xf32, #tpu.memory_space<vmem>>, vector<1x16xf32>,
      %get3A_256 = arith.index_cast %scan3A_206 : i32 to index
      %get3A_257 = arith.constant 48 : index
      %get3A_258 = tpu.vector_load %arg8[%get3A_256, %get3A_257] {strides = array<i32>} : memref<200x128xf32, #tpu.memory_space<vmem>>, vector<1x16xf32>,
      %get3A_259 = vector.shape_cast %get3A_258 : vector<1x16xf32> to vector<16xf32>
      %mul3A_260 = arith.constant 11.3137083 : f32
      %mul3A_261 = vector.broadcast %mul3A_260 : f32 to vector<16xf32>
      %mul3A_262 = arith.mulf %get3A_259, %mul3A_261 : vector<16xf32>
      %get3A_263 = arith.index_cast %scan3A_206 : i32 to index
      %get3A_264 = arith.constant 48 : index
      %get3A_265 = tpu.vector_load %arg10[%get3A_263, %get3A_264] {strides = array<i32>} : memref<200x128xf32, #tpu.memory_space<vmem>>, vector<1x16xf32>,
      %get3A_266 = vector.shape_cast %get3A_265 : vector<1x16xf32> to vector<16xf32>
      %add3A_267 = arith.addf %mul3A_262, %get3A_266 : vector<16xf32>
      %swap3A_268 = arith.index_cast %scan3A_206 : i32 to index
      %swap3A_269 = arith.constant 48 : index
      %swap3A_270 = tpu.vector_load %arg8[%swap3A_268, %swap3A_269] {strides = array<i32>} : memref<200x128xf32, #tpu.memory_space<vmem>>, vector<1x16xf32>,
      %swap3A_271 = vector.shape_cast %swap3A_270 : vector<1x16xf32> to vector<16xf32>
      %swap3A_272 = vector.shape_cast %add3A_267 : vector<16xf32> to vector<1x16xf32>
      tpu.vector_store %arg8[%swap3A_268, %swap3A_269], %swap3A_272 {strides = array<i32>} : memref<200x128xf32, #tpu.memory_space<vmem>>, vector<1x16xf32>,
      %get3A_273 = arith.index_cast %scan3A_206 : i32 to index
      %get3A_274 = arith.constant 64 : index
      %get3A_275 = tpu.vector_load %arg8[%get3A_273, %get3A_274] {strides = array<i32>} : memref<200x128xf32, #tpu.memory_space<vmem>>, vector<1x16xf32>,
      %get3A_276 = vector.shape_cast %get3A_275 : vector<1x16xf32> to vector<16xf32>
      %mul3A_277 = arith.constant 11.3137083 : f32
      %mul3A_278 = vector.broadcast %mul3A_277 : f32 to vector<16xf32>
      %mul3A_279 = arith.mulf %get3A_276, %mul3A_278 : vector<16xf32>
      %get3A_280 = arith.index_cast %scan3A_206 : i32 to index
      %get3A_281 = arith.constant 64 : index
      %get3A_282 = tpu.vector_load %arg10[%get3A_280, %get3A_281] {strides = array<i32>} : memref<200x128xf32, #tpu.memory_space<vmem>>, vector<1x16xf32>,
      %get3A_283 = vector.shape_cast %get3A_282 : vector<1x16xf32> to vector<16xf32>
      %add3A_284 = arith.addf %mul3A_279, %get3A_283 : vector<16xf32>
      %swap3A_285 = arith.index_cast %scan3A_206 : i32 to index
      %swap3A_286 = arith.constant 64 : index
      %swap3A_287 = tpu.vector_load %arg8[%swap3A_285, %swap3A_286] {strides = array<i32>} : memref<200x128xf32, #tpu.memory_space<vmem>>, vector<1x16xf32>,
      %swap3A_288 = vector.shape_cast %swap3A_287 : vector<1x16xf32> to vector<16xf32>
      %swap3A_289 = vector.shape_cast %add3A_284 : vector<16xf32> to vector<1x16xf32>
      tpu.vector_store %arg8[%swap3A_285, %swap3A_286], %swap3A_289 {strides = array<i32>} : memref<200x128xf32, #tpu.memory_space<vmem>>, vector<1x16xf32>,
      %get3A_290 = arith.index_cast %scan3A_206 : i32 to index
      %get3A_291 = arith.constant 80 : index
      %get3A_292 = tpu.vector_load %arg8[%get3A_290, %get3A_291] {strides = array<i32>} : memref<200x128xf32, #tpu.memory_space<vmem>>, vector<1x16xf32>,
      %get3A_293 = vector.shape_cast %get3A_292 : vector<1x16xf32> to vector<16xf32>
      %mul3A_294 = arith.constant 11.3137083 : f32
      %mul3A_295 = vector.broadcast %mul3A_294 : f32 to vector<16xf32>
      %mul3A_296 = arith.mulf %get3A_293, %mul3A_295 : vector<16xf32>
      %get3A_297 = arith.index_cast %scan3A_206 : i32 to index
      %get3A_298 = arith.constant 80 : index
      %get3A_299 = tpu.vector_load %arg10[%get3A_297, %get3A_298] {strides = array<i32>} : memref<200x128xf32, #tpu.memory_space<vmem>>, vector<1x16xf32>,
      %get3A_300 = vector.shape_cast %get3A_299 : vector<1x16xf32> to vector<16xf32>
      %add3A_301 = arith.addf %mul3A_296, %get3A_300 : vector<16xf32>
      %swap3A_302 = arith.index_cast %scan3A_206 : i32 to index
      %swap3A_303 = arith.constant 80 : index
      %swap3A_304 = tpu.vector_load %arg8[%swap3A_302, %swap3A_303] {strides = array<i32>} : memref<200x128xf32, #tpu.memory_space<vmem>>, vector<1x16xf32>,
      %swap3A_305 = vector.shape_cast %swap3A_304 : vector<1x16xf32> to vector<16xf32>
      %swap3A_306 = vector.shape_cast %add3A_301 : vector<16xf32> to vector<1x16xf32>
      tpu.vector_store %arg8[%swap3A_302, %swap3A_303], %swap3A_306 {strides = array<i32>} : memref<200x128xf32, #tpu.memory_space<vmem>>, vector<1x16xf32>,
      %get3A_307 = arith.index_cast %scan3A_206 : i32 to index
      %get3A_308 = arith.constant 96 : index
      %get3A_309 = tpu.vector_load %arg8[%get3A_307, %get3A_308] {strides = array<i32>} : memref<200x128xf32, #tpu.memory_space<vmem>>, vector<1x16xf32>,
      %get3A_310 = vector.shape_cast %get3A_309 : vector<1x16xf32> to vector<16xf32>
      %mul3A_311 = arith.constant 11.3137083 : f32
      %mul3A_312 = vector.broadcast %mul3A_311 : f32 to vector<16xf32>
      %mul3A_313 = arith.mulf %get3A_310, %mul3A_312 : vector<16xf32>
      %get3A_314 = arith.index_cast %scan3A_206 : i32 to index
      %get3A_315 = arith.constant 96 : index
      %get3A_316 = tpu.vector_load %arg10[%get3A_314, %get3A_315] {strides = array<i32>} : memref<200x128xf32, #tpu.memory_space<vmem>>, vector<1x16xf32>,
      %get3A_317 = vector.shape_cast %get3A_316 : vector<1x16xf32> to vector<16xf32>
      %add3A_318 = arith.addf %mul3A_313, %get3A_317 : vector<16xf32>
      %swap3A_319 = arith.index_cast %scan3A_206 : i32 to index
      %swap3A_320 = arith.constant 96 : index
      %swap3A_321 = tpu.vector_load %arg8[%swap3A_319, %swap3A_320] {strides = array<i32>} : memref<200x128xf32, #tpu.memory_space<vmem>>, vector<1x16xf32>,
      %swap3A_322 = vector.shape_cast %swap3A_321 : vector<1x16xf32> to vector<16xf32>
      %swap3A_323 = vector.shape_cast %add3A_318 : vector<16xf32> to vector<1x16xf32>
      tpu.vector_store %arg8[%swap3A_319, %swap3A_320], %swap3A_323 {strides = array<i32>} : memref<200x128xf32, #tpu.memory_space<vmem>>, vector<1x16xf32>,
      %get3A_324 = arith.index_cast %scan3A_206 : i32 to index
      %get3A_325 = arith.constant 112 : index
      %get3A_326 = tpu.vector_load %arg8[%get3A_324, %get3A_325] {strides = array<i32>} : memref<200x128xf32, #tpu.memory_space<vmem>>, vector<1x16xf32>,
      %get3A_327 = vector.shape_cast %get3A_326 : vector<1x16xf32> to vector<16xf32>
      %mul3A_328 = arith.constant 11.3137083 : f32
      %mul3A_329 = vector.broadcast %mul3A_328 : f32 to vector<16xf32>
      %mul3A_330 = arith.mulf %get3A_327, %mul3A_329 : vector<16xf32>
      %get3A_331 = arith.index_cast %scan3A_206 : i32 to index
      %get3A_332 = arith.constant 112 : index
      %get3A_333 = tpu.vector_load %arg10[%get3A_331, %get3A_332] {strides = array<i32>} : memref<200x128xf32, #tpu.memory_space<vmem>>, vector<1x16xf32>,
      %get3A_334 = vector.shape_cast %get3A_333 : vector<1x16xf32> to vector<16xf32>
      %add3A_335 = arith.addf %mul3A_330, %get3A_334 : vector<16xf32>
      %swap3A_336 = arith.index_cast %scan3A_206 : i32 to index
      %swap3A_337 = arith.constant 112 : index
      %swap3A_338 = tpu.vector_load %arg8[%swap3A_336, %swap3A_337] {strides = array<i32>} : memref<200x128xf32, #tpu.memory_space<vmem>>, vector<1x16xf32>,
      %swap3A_339 = vector.shape_cast %swap3A_338 : vector<1x16xf32> to vector<16xf32>
      %swap3A_340 = vector.shape_cast %add3A_335 : vector<16xf32> to vector<1x16xf32>
      tpu.vector_store %arg8[%swap3A_336, %swap3A_337], %swap3A_340 {strides = array<i32>} : memref<200x128xf32, #tpu.memory_space<vmem>>, vector<1x16xf32>,
    }
    %scan3A_181 = arith.constant 200 : i32
    %add3A_182 = arith.constant 6200 : i32
    %add3A_183 = arith.addi %mul3A_2, %add3A_182 : i32
    %dma_start3A_184 = arith.constant 0 : i32
    %dma_start3A_185 = tpu.memref_slice %arg5[%add3A_183, %dma_start3A_184] : memref<204800x128xf32, #tpu.memory_space<hbm>> -> memref<200x128xf32, #tpu.memory_space<hbm>>
    %dma_start3A_186 = arith.constant 0 : i32
    %dma_start3A_187 = tpu.memref_slice %arg5[%add3A_183, %dma_start3A_186] : memref<204800x128xf32, #tpu.memory_space<hbm>> -> memref<200x128xf32, #tpu.memory_space<hbm>>
    tpu.enqueue_dma source(%arg8 : memref<200x128xf32, #tpu.memory_space<vmem>>) target(%dma_start3A_187 : memref<200x128xf32, #tpu.memory_space<hbm>>) target_semaphore(%arg15 : memref<!tpu.dma_semaphore, #tpu.memory_space<semaphore_mem>>)
    %dma_wait3A_188 = arith.constant 0 : i32
    %dma_wait3A_189 = arith.constant 0 : i32
    %dma_wait3A_190 = tpu.memref_slice %arg5[%dma_wait3A_188, %dma_wait3A_189] : memref<204800x128xf32, #tpu.memory_space<hbm>> -> memref<200x128xf32, #tpu.memory_space<hbm>>
    %dma_wait3A_191 = arith.constant 0 : i32
    %dma_wait3A_192 = arith.constant 0 : i32
    %dma_wait3A_193 = tpu.memref_slice %arg5[%dma_wait3A_191, %dma_wait3A_192] : memref<204800x128xf32, #tpu.memory_space<hbm>> -> memref<200x128xf32, #tpu.memory_space<hbm>>
    tpu.wait_dma2 semaphore(%arg14 : memref<!tpu.dma_semaphore, #tpu.memory_space<semaphore_mem>>) src(%arg7 : memref<200x128xf32, #tpu.memory_space<vmem>>) dst(%dma_wait3A_193 : memref<200x128xf32, #tpu.memory_space<hbm>>)
    %dma_wait3A_194 = arith.constant 0 : i32
    %dma_wait3A_195 = arith.constant 0 : i32
    %dma_wait3A_196 = tpu.memref_slice %arg5[%dma_wait3A_194, %dma_wait3A_195] : memref<204800x128xf32, #tpu.memory_space<hbm>> -> memref<200x128xf32, #tpu.memory_space<hbm>>
    %dma_wait3A_197 = arith.constant 0 : i32
    %dma_wait3A_198 = arith.constant 0 : i32
    %dma_wait3A_199 = tpu.memref_slice %arg5[%dma_wait3A_197, %dma_wait3A_198] : memref<204800x128xf32, #tpu.memory_space<hbm>> -> memref<200x128xf32, #tpu.memory_space<hbm>>
    tpu.wait_dma2 semaphore(%arg15 : memref<!tpu.dma_semaphore, #tpu.memory_space<semaphore_mem>>) src(%arg8 : memref<200x128xf32, #tpu.memory_space<vmem>>) dst(%dma_wait3A_199 : memref<200x128xf32, #tpu.memory_space<hbm>>)
    %dma_wait3A_200 = arith.constant 0 : i32
    %dma_wait3A_201 = arith.constant 0 : i32
    %dma_wait3A_202 = tpu.memref_slice %arg5[%dma_wait3A_200, %dma_wait3A_201] : memref<204800x128xf32, #tpu.memory_space<hbm>> -> memref<200x128xf32, #tpu.memory_space<hbm>>
    %dma_wait3A_203 = arith.constant 0 : i32
    %dma_wait3A_204 = arith.constant 0 : i32
    %dma_wait3A_205 = tpu.memref_slice %arg5[%dma_wait3A_203, %dma_wait3A_204] : memref<204800x128xf32, #tpu.memory_space<hbm>> -> memref<200x128xf32, #tpu.memory_space<hbm>>
    tpu.wait_dma2 semaphore(%arg16 : memref<!tpu.dma_semaphore, #tpu.memory_space<semaphore_mem>>) src(%arg9 : memref<200x128xf32, #tpu.memory_space<vmem>>) dst(%dma_wait3A_205 : memref<200x128xf32, #tpu.memory_space<hbm>>)
    return
  }
}

</mosaic_0001>

<sc_bundles>
// kernel: kernel.3.cloned.1.call-start
scs
__scs_entry_jumppad:
0x0: {  	(pc) =	sbr.rel $0x88, $3  }
0x1: {  	(tag) =	ssettag $0x0;
	lr =	simm.s32 $0x1  }
0x2: {  	[smem:$0x3F9F] =	sst lr;
	_ =	strace $0xD0000000  }
0x3: {  	_ = 	snop  }
0x4: {  	_ = 	snop  }
0x5: {  	_ = 	snop  }
0x6: {  	_ = 	snop  }
0x7: {  	_ = 	snop  }
__scs_overlays_trampoline_lowered:
0x8: {  	[smem:$0x3FAE] =	sst s0  }
0x9: {  	[smem:$0x3FAF] =	sst s1  }
0xa: {  	[smem:$0x3FB0] =	sst s2  }
0xb: {  	[smem:$0x3FB1] =	sst s3  }
0xc: {  	[smem:$0x3FB2] =	sst s4  }
0xd: {  	[smem:$0x3FB3] =	sst s5  }
0xe: {  	[smem:$0x3FB4] =	sst s6  }
0xf: {  	[smem:$0x3FB5] =	sst s7  }
0x10: {  	[smem:$0x3FB6] =	sst s8  }
0x11: {  	[smem:$0x3FB7] =	sst s9;
	s0 =	simm.s32 @!p0 $0x0  }
0x12: {  	s1 =	sld [smem:$0x3F9D];
	s0 =	simm.s32 @p0 $0x1  }
0x13: {  	[smem:$0x3FB8] =	sst s0;
	s0 =	simm.s32 @!p1 $0x0  }
0x14: {  	s2 =	sld [smem:$0x3F9C];
	s0 =	simm.s32 @p1 $0x1  }
0x15: {  	[smem:$0x3FB9] =	sst s0;
	s0 =	simm.s32 @!p2 $0x0  }
0x16: {  	s3 =	sld [smem:$0x3FDB];
	s0 =	simm.s32 @p2 $0x1  }
0x17: {  	s4 =	simm.s32 $0x1BF5;
	[smem:$0x3FBB] =	sst s0  }
0x18: {  	s0 =	sld [smem:$0x3F9E];
	_ =	swait.ge [sflag:s4], $0x0  }
0x19: {  	s7 =	sld [smem:$0x3F9F]  }
0x1a: {  	s8 =	sadd.s32 $0xFFFFE003, lr  }
0x1b: {  	s9 =	sadd.s32 $0xFFFFFEF7, lr;
	s5 =	simm.s32 $0xFFFFFFFF;
	p2 =	slt.u32 s8, $0xFFFFF086  }
0x1c: {  	p1 =	slt.u32 s9, $0xF7A;
	s5 =	simm.s32 @!p2 $0x0  }
0x1d: {  	s5 =	simm.s32 @p1 $0x1;
	p0 =	seq.s32 s7, s2  }
0x1e: {  	s7 =	smul.u32 @!p0 $0xF7A, s2;
	p2 =	seq.s32 @!p0 s5, $0x0  }
0x1f: {  	s9 =	smul.u32 $0xF7A, s1;
	s8 =	simm.s32 @!p0 $0x1BF5;
	p2 =	por !p2, p0  }
0x20: {  	[sflag:s8] =	ssyncset.s32 @!p0 $0xFFFFF086;
	s6 =	sadd.s32 @!p0 s3, s7;
	s7 =	simm.s32 @!p0 $0x108  }
0x21: {  	s3 =	sadd.s32 s3, s9;
	s6 =	sadd.s32 @!p0 $0x88, s6;
	s7 =	simm.s32 @p2 $0x1082  }
0x22: {  	[simem:s7], [sflag:s8] =	dma.local @!p0 [hbm:s6], $0xF7A  }
0x23: {  	s9 =	sor.u32 $0xD0000000, s2;
	s6 =	simm.s32 $0x108;
	_ =	swait.ge @!p0 [sflag:s8], $0x0  }
0x24: {  	s3 =	sadd.s32 $0x88, s3;
	s6 =	simm.s32 @!p1 $0x1082;
	[sflag:s4] =	ssyncset.s32 $0xFFFFF086  }
0x25: {  	[simem:s6], [sflag:s4] =	dma.local [hbm:s3], $0xF7A  }
0x26: {  	[smem:$0x3F9F] =	sst s1;
	(tag) =	ssettag s2;
	_ =	strace s9  }
0x27: {  	s1 =	sld [smem:$0x3FAF]  }
0x28: {  	s2 =	sld [smem:$0x3FB0]  }
0x29: {  	s4 =	sld [smem:$0x3FB2]  }
0x2a: {  	p0 =	seq.s32 s5, $0x0;
	s5 =	sld [smem:$0x3FB3]  }
0x2b: {  	s6 =	sld [smem:$0x3FB4]  }
0x2c: {  	s7 =	sld [smem:$0x3FB5]  }
0x2d: {  	s3 =	simm.s32 $0x108;
	s8 =	sld [smem:$0x3FB6]  }
0x2e: {  	s3 =	simm.s32 @!p0 $0x1082;
	s9 =	sld [smem:$0x3FB7]  }
0x2f: {  	lr =	sadd.s32 s0, s3;
	s0 =	sld [smem:$0x3FAE]  }
0x30: {  	s3 =	sld [smem:$0x3FB1]  }
0x31: {  	[smem:$0x3FBA] =	sst s10  }
0x32: {  	s10 =	sld [smem:$0x3FB8];
	_ =	sdelay $0x3  }
0x33: {  	p0 =	seq.s32 s10, $0x1;
	s10 =	sld [smem:$0x3FBA];
	_ =	sdelay $0x3  }
0x34: {  	[smem:$0x3FBA] =	sst s10  }
0x35: {  	s10 =	sld [smem:$0x3FB9];
	_ =	sdelay $0x3  }
0x36: {  	p1 =	seq.s32 s10, $0x1;
	s10 =	sld [smem:$0x3FBA];
	_ =	sdelay $0x3  }
0x37: {  	[smem:$0x3FBA] =	sst s10  }
0x38: {  	s10 =	sld [smem:$0x3FBB]  }
0x39: {  	_ = 	snop;
	(pc) =	sbr.ind lr, $3  }
0x3a: {  	_ = 	snop  }
0x3b: {  	_ = 	snop  }
0x3c: {  	p2 =	seq.s32 s10, $0x1;
	s10 =	sld [smem:$0x3FBA]  }
0x3d: {  	_ =	shalt  }
0x3e: {  	_ =	shalt  }
0x3f: {  	_ =	shalt  }
0x40: {  	_ =	shalt  }
0x41: {  	_ =	shalt  }
0x42: {  	_ =	shalt  }
0x43: {  	_ =	shalt  }
0x44: {  	_ =	shalt  }
0x45: {  	_ =	shalt  }
0x46: {  	_ =	shalt  }
0x47: {  	_ =	shalt  }
0x48: {  	_ =	shalt  }
0x49: {  	_ =	shalt  }
0x4a: {  	_ =	shalt  }
0x4b: {  	_ =	shalt  }
0x4c: {  	_ =	shalt  }
0x4d: {  	_ =	shalt  }
0x4e: {  	_ =	shalt  }
0x4f: {  	_ =	shalt  }
0x50: {  	_ =	shalt  }
0x51: {  	_ =	shalt  }
0x52: {  	_ =	shalt  }
0x53: {  	_ =	shalt  }
0x54: {  	_ =	shalt  }
0x55: {  	_ =	shalt  }
0x56: {  	_ =	shalt  }
0x57: {  	_ =	shalt  }
0x58: {  	_ =	shalt  }
0x59: {  	_ =	shalt  }
0x5a: {  	_ =	shalt  }
0x5b: {  	_ =	shalt  }
0x5c: {  	_ =	shalt  }
0x5d: {  	_ =	shalt  }
0x5e: {  	_ =	shalt  }
0x5f: {  	_ =	shalt  }
0x60: {  	_ =	shalt  }
0x61: {  	_ =	shalt  }
0x62: {  	_ =	shalt  }
0x63: {  	_ =	shalt  }
0x64: {  	_ =	shalt  }
0x65: {  	_ =	shalt  }
0x66: {  	_ =	shalt  }
0x67: {  	_ =	shalt  }
0x68: {  	_ =	shalt  }
0x69: {  	_ =	shalt  }
0x6a: {  	_ =	shalt  }
0x6b: {  	_ =	shalt  }
0x6c: {  	_ =	shalt  }
0x6d: {  	_ =	shalt  }
0x6e: {  	_ =	shalt  }
0x6f: {  	_ =	shalt  }
0x70: {  	_ =	shalt  }
0x71: {  	_ =	shalt  }
0x72: {  	_ =	shalt  }
0x73: {  	_ =	shalt  }
0x74: {  	_ =	shalt  }
0x75: {  	_ =	shalt  }
0x76: {  	_ =	shalt  }
0x77: {  	_ =	shalt  }
0x78: {  	_ =	shalt  }
0x79: {  	_ =	shalt  }
0x7a: {  	_ =	shalt  }
0x7b: {  	_ =	shalt  }
0x7c: {  	_ =	shalt  }
0x7d: {  	_ =	shalt  }
0x7e: {  	_ =	shalt  }
0x7f: {  	_ =	shalt  }
0x80: {  	_ =	shalt  }
0x81: {  	_ =	shalt  }
0x82: {  	_ =	shalt  }
0x83: {  	_ =	shalt  }
0x84: {  	_ =	shalt  }
0x85: {  	_ =	shalt  }
0x86: {  	_ =	shalt  }
0x87: {  	_ =	shalt  }
.Lfunc_end0:
.L_simem_size_0:
called_computation_lowered:
.L_overlay_start_0:
0x88: {  	s2 =	sld [smem:$0x3FD9]  }
0x89: {  	s3 =	sld [smem:$0x3FFE];
	_ =	sdelay $0x1  }
0x8a: {  	s1 =	srdreg.scid  }
0x8b: {  	s0 =	sand.u32 $0x1, s1  }
0x8c: {  	s17 =	sshll.u32 s0, $0xA;
	s2 =	sadd.s32 s3, s2  }
0x8d: {  	s2 =	sadd.s32 s2, s17  }
0x8e: {  	[smem:$0x3FC6] =	sst s2  }
0x8f: {  	_ = 	snop  }
0x90: {  	s2 =	sld [smem:$0x3FC8]  }
0x91: {  	s18 =	sld [smem:$0x3FD0];
	(tm) =	ssettm $0x1  }
0x92: {  	s4 =	sld [smem:$0x3FFB];
	_ =	sdelay $0x3  }
0x93: {  	_ =	strace s4  }
0x94: {  	s4 =	sld [smem:$0x3FFC];
	_ =	sdelay $0x3  }
0x95: {  	_ =	strace s4  }
0x96: {  	s4 =	sld [smem:$0x3FFD];
	_ =	sdelay $0x3  }
0x97: {  	_ =	strace s4  }
0x98: {  	_ =	strace $0x8FFFFFFF  }
0x99: {  	s19 =	sld [smem:$0x3FDB];
	_ =	sdelay $0x1  }
0x9a: {  	s5 =	simm.s32 $_scs_section_size  }
0x9b: {  	s6 =	simm.s32 $_size__tile_overlayer_lowered;
	s7 =	simm.s32 $_tile_overlayer_lowered  }
0x9c: {  	s22 =	simm.s32 $0x1BFF;
	s21 =	sshll.u32 s7, $0x1;
	s4 =	sadd.s32 s5, s19  }
0x9d: {  	s8 =	simm.s32 $0x0;
	s20 =	sshll.u32 s6, $0x1;
	s6 =	sadd.s32 s21, s4  }
0x9e: {  	[timem:s8], [sflag:s22] =	dma.local [hbm:s6], s20  }
0x9f: {  	_ =	swait.ge [sflag:s22], s20  }
0xa0: {  	s5 =	ssub.s32 $0x0, s20;
	[sflag:s22] =	ssyncset.done $0x0  }
0xa1: {  	[sflag:s22] =	ssyncadd.s32 s5;
	_ =	sdelay $0x1  }
0xa2: {  	s23 =	simm.s32 $0x1B8B  }
0xa3: {  	_ =	swait.ge [sflag:s23], $0x1  }
0xa4: {  	[sflag:s23] =	ssyncset.done $0x0  }
0xa5: {  	s25 =	simm.s32 $0x1B8E;
	s24 =	sld [smem:$0x3FFE];
	[sflag:s23] =	ssyncadd.s32 $0xFFFFFFFF  }
0xa6: {  	s26 =	simm.s32 $execute0_lowered;
	[smem:$0x3FD2] =	sst s25  }
0xa7: {  	s6 =	sshll.u32 s26, $0x1;
	_ =	strace $0x80000046;
	[dreg:$0x1] =	wrdreg $0xFFFFFFFF  }
0xa8: {  	s28 =	simm.s32 $_size_execute0_lowered;
	s4 =	sadd.s32 s4, s6;
	[dreg:$0x0] =	wrdreg $0x0  }
0xa9: {  	s6 =	sshll.u32 s28, $0x1;
	[dreg:$0x2] =	wrdreg s4  }
0xaa: {  	[dreg:$0x3] =	wrdreg s6  }
0xab: {  	[dreg:$0x4] =	wrdreg $0xC0  }
0xac: {  	_ =	task [dreg:s8], $0x5FFFF  }
0xad: {  	[dreg:$0x1] =	wrdreg $0xFFFFFFFF  }
0xae: {  	[dreg:$0x0] =	wrdreg $0x60  }
0xaf: {  	[dreg:$0x2] =	wrdreg s2  }
0xb0: {  	[dreg:$0x3] =	wrdreg s24  }
0xb1: {  	[dreg:$0x4] =	wrdreg s18  }
0xb2: {  	[dreg:$0x5] =	wrdreg $0x9  }
0xb3: {  	_ =	task.clear_ibuf [dreg:s8], $0x6FFFF;
	_ =	strace $0x90000046  }
0xb4: {  	s29 =	simm.s32 $0x9;
	_ =	strace $0x80000048  }
0xb5: {  	_ =	swait.ge [sflag:s29], $0x1  }
0xb6: {  	[sflag:s29] =	ssyncadd.s32 $0xFFFFFFFF  }
0xb7: {  	_ =	strace $0x90000048  }
0xb8: {  	_ =	sfence  }
0xb9: {  	s30 =	sld [smem:$0x0];
	_ =	sdelay $0x2  }
0xba: {  	s31 =	sshll.u32 s1, $0xD;
	s1 =	sshrl.u32 s1, $0x2  }
0xbb: {  	s3 =	sand.u32 $0x4000, s31;
	s1 =	sadd.s32 s1, s30  }
0xbc: {  	s0 =	sor.u32 s3, s0;
	s1 =	sshll.u32 s1, $0x11  }
0xbd: {  	s0 =	sor.u32 s1, s0  }
0xbe: {  	s0 =	sadd.s32 $0x8F2B, s0  }
0xbf: {  	[sflag:s0] =	ssyncadd.remote.s32 $0x1  }
0xc0: {  	_ =	sfence.sel $0xFFFF  }
0xc1: {  	[dreg:$0x0] =	wrdreg $0xFFFFFFFF;
	(pc) =	sbr.abs _section_cstart, $3  }
0xc2: {  	[dreg:$0x1] =	wrdreg $0xFFFFFFFF  }
0xc3: {  	_ =	task.clear_ibuf [dreg:s8], $0x2FFFF;
	_ =	strace $0x9FFFFFFF  }
0xc4: {  	(tm) =	ssettm $0x7FFFFFFF  }
0xc5: {  	_ =	shalt  }
tec
execute0_lowered:
.L_overlay_start_1:
0x0: {  	(tag) =	ssettag $0x1  }
0x1: {  	s1 =	rddreg [dreg:$0x0]  }
0x2: {  	s0 =	rddreg [dreg:$0x1];
	s2 =	srdreg.scid  }
0x3: {  	s4 =	stileid.u32;
	s3 =	rddreg [dreg:$0x2];
	s17 =	simm.s32 $0x8  }
0x4: {  	s18 =	simm.s32 $0x60;
	s19 =	simm.s32 $0x1900;
	s20 =	simm.s32 $0x68  }
0x5: {  	s21 =	simm.s32 $0x4900;
	s2 =	sand.u32 $0x1, s2;
	s5 =	sshll.u32 s4, $0x1  }
0x6: {  	s28 =	simm.s32 $0x1;
	s30 =	simm.s32 $0xE100;
	s6 =	sor.u32 s2, s5  }
0x7: {  	s16 =	simm.s32 $0x4;
	s29 =	simm.s32 $0x6;
	s5 =	smul.u32 $0x1900, s6  }
0x8: {  	s4 =	simm.s32 $0x0;
	s2 =	ssub.s32 $0x2, s2;
	s8 =	smul.u32 $0xC8000, s6  }
0x9: {  	[smem:$0x7FF] =	sst s4;
	s9 =	sshrl.u32 s2, $0x1;
	s6 =	smul.u32 $0x19000, s6  }
0xa: {  	s31 =	simm.s32 $0x0;
	_ =	strace $0x80000047;
	s22 =	ssub.s32 s2, s9  }
0xb: {  	s7 =	sshrl.u32 s5, $0x3;
	s23 =	sshrl.u32 s8, $0x3;
	s6 =	sadd.s32 s3, s6  }
0xc: {  	s9 =	sor.u32 $0xC8, s5;
	s10 =	sadd.s32 $0x190, s5;
	s15 =	smax.u32 s22, $0x1  }
0xd: {  	s7 =	sadd.s32 s7, s0;
	s0 =	sadd.s32 $0x6800, s0;
	[dreg:$0x6] =	wrdreg s6  }
0xe: {  	s2 =	sadd.s32 s3, s23;
	[dreg:$0x4] =	wrdreg s0;
	s7 =	sadd.s32 $0x400, s7  }
0xf: {  	s22 =	simm.s32 $0x3;
	s24 =	sadd.s32 $0x15E00, s2;
	[dreg:$0x5] =	wrdreg s7  }
0x10: {  	s23 =	simm.s32 $0x7D00;
	s25 =	sadd.s32 $0x16A80, s2;
	[dreg:$0x7] =	wrdreg s24  }
0x11: {  	s26 =	sadd.s32 $0x17700, s2;
	s14 =	sadd.s32 $0x18380, s2;
	[dreg:$0x8] =	wrdreg s25  }
0x12: {  	s2 =	simm.s32 $0x11100;
	s0 =	simm.s32 $0x2;
	[dreg:$0x9] =	wrdreg s26  }
0x13: {  	s25 =	simm.s32 $0xAD00;
	s26 =	simm.s32 $0x7;
	s24 =	simm.s32 $0x5  }
.LBB2_1:
0x14: {  	s6 =	rddreg [dreg:$0x4];
	s7 =	simm.s32 $0x14500  }
0x15: {  	[tilespmem:s7], [sflag:$0x7] =	stream.linear.gather [hbm4b:s6+s4], $0x6400, $0x38;
	[tilespmem:$0x1A900] =	vst v63  }
0x16: {  	s11 =	rddreg [dreg:$0x5]  }
0x17: {  	[tilespmem:s4], [sflag:$0x8] =	stream.linear.gather [hbm4b:s11+s4], $0x1900, $0x38;
	[tilespmem:$0x1A900] =	vst v63  }
0x18: {  	_ =	swait.ge [sflag:s17], $0x1900  }
0x19: {  	[sflag:s17] =	ssyncset.done $0x0  }
0x1a: {  	[sflag:s17] =	ssyncadd.s32 $0xFFFFE700  }
0x1b: {  	[tilespmem:s19], [sflag:$0x1] =	stream.indirect.gather [hbm4b:s1+s18], $0x80, s4, s18, $0xb8;
	[tilespmem:$0x1A900] =	vst v63  }
0x1c: {  	_ = 	snop  }
0x1d: {  	[tilespmem:s21], [sflag:$0x1] =	stream.indirect.gather [hbm4b:s1+s20], $0x80, s18, s20, $0xb8;
	[tilespmem:$0x1A900] =	vst v63  }
0x1e: {  	s12 =	simm.s32 $0xC8  }
0x1f: {  	[tilespmem:s23], [sflag:$0x2] =	stream.indirect.gather [hbm4b:s1+s18], $0x80, s12, s18, $0xb8;
	[tilespmem:$0x1A900] =	vst v63  }
0x20: {  	s13 =	simm.s32 $0x128  }
0x21: {  	[tilespmem:s25], [sflag:$0x2] =	stream.indirect.gather [hbm4b:s1+s20], $0x80, s13, s20, $0xb8;
	[tilespmem:$0x1A900] =	vst v63  }
0x22: {  	_ =	swait.ge [sflag:s26], $0x6400  }
0x23: {  	[sflag:s26] =	ssyncset.done $0x0  }
0x24: {  	[sflag:s26] =	ssyncadd.s32 $0xFFFF9C00  }
0x25: {  	_ =	swait.ge [sflag:s28], $0x6400  }
0x26: {  	[sflag:s28] =	ssyncset.done $0x0  }
0x27: {  	s6 =	simm.s32 $0x0;
	[sflag:s28] =	ssyncadd.s32 $0xFFFF9C00  }
0x28: {  	v5 =	vld [tilespmem:s6+$0x14500]  }
0x29: {  	v4 =	vld [tilespmem:s6+$0x14510]  }
0x2a: {  	v3 =	vld [tilespmem:s6+$0x14520]  }
0x2b: {  	v2 =	vld [tilespmem:s6+$0x14530]  }
0x2c: {  	v1 =	vld [tilespmem:s6+$0x14540]  }
0x2d: {  	v0 =	vld [tilespmem:s6+$0x14550]  }
0x2e: {  	v6 =	vld [tilespmem:s6+$0x1900]  }
0x2f: {  	v11 =	vld [tilespmem:s6+$0x1910]  }
0x30: {  	v10 =	vld [tilespmem:s6+$0x1920]  }
0x31: {  	v9 =	vld [tilespmem:s6+$0x1930]  }
0x32: {  	v8 =	vld [tilespmem:s6+$0x1940]  }
0x33: {  	v7 =	vld [tilespmem:s6+$0x1950];
	v12 =	vmul.f32 $1.131370830e+01, v6  }
0x34: {  	s7 =	simm.s32 $0x200;
	v11 =	vmul.f32 $1.131370830e+01, v11;
	v6 =	vld [tilespmem:s6+$0x1960]  }
.LBB2_2:
0x35: {  	p0 =	sne.s32 s7, $0x18E00;
	v5 =	vadd.f32 v5, v12;
	v10 =	vmul.f32 $1.131370830e+01, v10;
	v12 =	vld [tilespmem:s6+$0x1970]  }
0x36: {  	v4 =	vadd.f32 v4, v11;
	v9 =	vmul.f32 $1.131370830e+01, v9;
	v11 =	vld [tilespmem:s6+$0x14560]  }
0x37: {  	s8 =	sshra.s32 s7, $0x2;
	[tilespmem:s6+$0x1900] =	vst v5;
	v3 =	vadd.f32 v3, v10;
	v8 =	vmul.f32 $1.131370830e+01, v8;
	v10 =	vld [tilespmem:s6+$0x14570]  }
0x38: {  	v5 =	vld [tilespmem:s8+$0x14500];
	[tilespmem:s6+$0x1910] =	vst v4;
	v2 =	vadd.f32 v2, v9;
	v7 =	vmul.f32 $1.131370830e+01, v7  }
0x39: {  	v4 =	vld [tilespmem:s8+$0x14510];
	[tilespmem:s6+$0x1920] =	vst v3;
	v1 =	vadd.f32 v1, v8;
	v6 =	vmul.f32 $1.131370830e+01, v6  }
0x3a: {  	v3 =	vld [tilespmem:s8+$0x14520];
	[tilespmem:s6+$0x1930] =	vst v2;
	v0 =	vadd.f32 v0, v7;
	v7 =	vmul.f32 $1.131370830e+01, v12  }
0x3b: {  	v2 =	vld [tilespmem:s8+$0x14530];
	[tilespmem:s6+$0x1940] =	vst v1;
	v6 =	vadd.f32 v11, v6  }
0x3c: {  	v1 =	vld [tilespmem:s8+$0x14540];
	[tilespmem:s6+$0x1950] =	vst v0;
	v7 =	vadd.f32 v10, v7  }
0x3d: {  	v0 =	vld [tilespmem:s8+$0x14550];
	[tilespmem:s6+$0x1960] =	vst v6  }
0x3e: {  	v6 =	vld [tilespmem:s8+$0x1900];
	[tilespmem:s6+$0x1970] =	vst v7;
	s6 =	smov.u32 s8  }
0x3f: {  	v11 =	vld [tilespmem:s6+$0x1910]  }
.Ltmp0:
0x40: {  	v10 =	vld [tilespmem:s6+$0x1920];
	(pc) =	sbr.rel @p0 .LBB2_2-.Ltmp0, $4  }
0x41: {  	v9 =	vld [tilespmem:s6+$0x1930]  }
0x42: {  	v8 =	vld [tilespmem:s6+$0x1940]  }
0x43: {  	v12 =	vmul.f32 $1.131370830e+01, v6;
	v7 =	vld [tilespmem:s6+$0x1950]  }
0x44: {  	s7 =	sadd.s32 $0x200, s7;
	v11 =	vmul.f32 $1.131370830e+01, v11;
	v6 =	vld [tilespmem:s6+$0x1960]  }
0x45: {  	v5 =	vadd.f32 v5, v12;
	v56 =	vld [tilespmem:s6+$0x1970];
	v10 =	vmul.f32 $1.131370830e+01, v10  }
0x46: {  	v13 =	vld [tilespmem:s6+$0x14560];
	v4 =	vadd.f32 v4, v11;
	v9 =	vmul.f32 $1.131370830e+01, v9  }
0x47: {  	v58 =	vld [tilespmem:s6+$0x14570];
	[tilespmem:s6+$0x1900] =	vst v5;
	v3 =	vadd.f32 v3, v10;
	v57 =	vmul.f32 $1.131370830e+01, v8  }
0x48: {  	[tilespmem:s6+$0x1910] =	vst v4;
	v2 =	vadd.f32 v2, v9;
	v59 =	vmul.f32 $1.131370830e+01, v7  }
0x49: {  	[tilespmem:s6+$0x1920] =	vst v3;
	v1 =	vadd.f32 v1, v57;
	v60 =	vmul.f32 $1.131370830e+01, v6  }
0x4a: {  	[tilespmem:s6+$0x1930] =	vst v2;
	v0 =	vadd.f32 v0, v59;
	v61 =	vmul.f32 $1.131370830e+01, v56  }
0x4b: {  	[tilespmem:s6+$0x1940] =	vst v1;
	v62 =	vadd.f32 v13, v60  }
0x4c: {  	[tilespmem:s6+$0x1950] =	vst v0;
	v63 =	vadd.f32 v58, v61  }
0x4d: {  	[tilespmem:s6+$0x1960] =	vst v62  }
0x4e: {  	s7 =	rddreg [dreg:$0x6];
	[tilespmem:s6+$0x1970] =	vst v63;
	s6 =	simm.s32 $0x0  }
0x4f: {  	[hbm4b:s7+s6] =	stream.linear.scatter [tilespmem:s19], [sflag:$0x4], $0x6400, $0x38;
	[tilespmem:$0x1A900] =	vst v63  }
0x50: {  	s12 =	simm.s32 $0x190  }
0x51: {  	[tilespmem:s30], [sflag:$0x3] =	stream.indirect.gather [hbm4b:s1+s18], $0x80, s12, s18, $0xb8;
	[tilespmem:$0x1A900] =	vst v63  }
0x52: {  	s13 =	simm.s32 $0x1F0  }
0x53: {  	[tilespmem:s2], [sflag:$0x3] =	stream.indirect.gather [hbm4b:s1+s20], $0x80, s13, s20, $0xb8;
	[tilespmem:$0x1A900] =	vst v63  }
.LBB2_4:
0x54: {  	_ =	swait.ge [sflag:s0], $0x6400  }
0x55: {  	[sflag:s0] =	ssyncset.done $0x0  }
0x56: {  	s8 =	simm.s32 $0x0;
	[sflag:s0] =	ssyncadd.s32 $0xFFFF9C00  }
0x57: {  	v5 =	vld [tilespmem:s8+$0x14500]  }
0x58: {  	v4 =	vld [tilespmem:s8+$0x14510]  }
0x59: {  	v3 =	vld [tilespmem:s8+$0x14520]  }
0x5a: {  	v2 =	vld [tilespmem:s8+$0x14530]  }
0x5b: {  	v1 =	vld [tilespmem:s8+$0x14540]  }
0x5c: {  	v0 =	vld [tilespmem:s8+$0x14550]  }
0x5d: {  	v6 =	vld [tilespmem:s8+$0x7D00]  }
0x5e: {  	v11 =	vld [tilespmem:s8+$0x7D10]  }
0x5f: {  	v10 =	vld [tilespmem:s8+$0x7D20]  }
0x60: {  	v9 =	vld [tilespmem:s8+$0x7D30]  }
0x61: {  	v8 =	vld [tilespmem:s8+$0x7D40]  }
0x62: {  	v7 =	vld [tilespmem:s8+$0x7D50];
	v12 =	vmul.f32 $1.131370830e+01, v6  }
0x63: {  	s7 =	simm.s32 $0x200;
	v11 =	vmul.f32 $1.131370830e+01, v11;
	v6 =	vld [tilespmem:s8+$0x7D60]  }
.LBB2_5:
0x64: {  	p0 =	sne.s32 s7, $0x18E00;
	v5 =	vadd.f32 v5, v12;
	v10 =	vmul.f32 $1.131370830e+01, v10;
	v12 =	vld [tilespmem:s8+$0x7D70]  }
0x65: {  	v4 =	vadd.f32 v4, v11;
	v9 =	vmul.f32 $1.131370830e+01, v9;
	v11 =	vld [tilespmem:s8+$0x14560]  }
0x66: {  	s11 =	sshra.s32 s7, $0x2;
	[tilespmem:s8+$0x7D00] =	vst v5;
	v3 =	vadd.f32 v3, v10;
	v8 =	vmul.f32 $1.131370830e+01, v8;
	v10 =	vld [tilespmem:s8+$0x14570]  }
0x67: {  	v5 =	vld [tilespmem:s11+$0x14500];
	[tilespmem:s8+$0x7D10] =	vst v4;
	v2 =	vadd.f32 v2, v9;
	v7 =	vmul.f32 $1.131370830e+01, v7  }
0x68: {  	v4 =	vld [tilespmem:s11+$0x14510];
	[tilespmem:s8+$0x7D20] =	vst v3;
	v1 =	vadd.f32 v1, v8;
	v6 =	vmul.f32 $1.131370830e+01, v6  }
0x69: {  	v3 =	vld [tilespmem:s11+$0x14520];
	[tilespmem:s8+$0x7D30] =	vst v2;
	v0 =	vadd.f32 v0, v7;
	v7 =	vmul.f32 $1.131370830e+01, v12  }
0x6a: {  	v2 =	vld [tilespmem:s11+$0x14530];
	[tilespmem:s8+$0x7D40] =	vst v1;
	v6 =	vadd.f32 v11, v6  }
0x6b: {  	v1 =	vld [tilespmem:s11+$0x14540];
	[tilespmem:s8+$0x7D50] =	vst v0;
	v7 =	vadd.f32 v10, v7  }
0x6c: {  	v0 =	vld [tilespmem:s11+$0x14550];
	[tilespmem:s8+$0x7D60] =	vst v6  }
0x6d: {  	v6 =	vld [tilespmem:s11+$0x7D00];
	[tilespmem:s8+$0x7D70] =	vst v7;
	s8 =	smov.u32 s11  }
0x6e: {  	v11 =	vld [tilespmem:s8+$0x7D10]  }
.Ltmp1:
0x6f: {  	v10 =	vld [tilespmem:s8+$0x7D20];
	(pc) =	sbr.rel @p0 .LBB2_5-.Ltmp1, $4  }
0x70: {  	v9 =	vld [tilespmem:s8+$0x7D30]  }
0x71: {  	v8 =	vld [tilespmem:s8+$0x7D40]  }
0x72: {  	v12 =	vmul.f32 $1.131370830e+01, v6;
	v7 =	vld [tilespmem:s8+$0x7D50]  }
0x73: {  	s7 =	sadd.s32 $0x200, s7;
	v11 =	vmul.f32 $1.131370830e+01, v11;
	v6 =	vld [tilespmem:s8+$0x7D60]  }
0x74: {  	v5 =	vadd.f32 v5, v12;
	v12 =	vld [tilespmem:s8+$0x7D70];
	v10 =	vmul.f32 $1.131370830e+01, v10  }
0x75: {  	v13 =	vld [tilespmem:s8+$0x14560];
	v4 =	vadd.f32 v4, v11;
	v9 =	vmul.f32 $1.131370830e+01, v9  }
0x76: {  	[tilespmem:s8+$0x7D00] =	vst v5;
	v3 =	vadd.f32 v3, v10;
	v5 =	vmul.f32 $1.131370830e+01, v8;
	v8 =	vld [tilespmem:s8+$0x14570]  }
0x77: {  	[tilespmem:s8+$0x7D10] =	vst v4;
	v2 =	vadd.f32 v2, v9;
	v4 =	vmul.f32 $1.131370830e+01, v7  }
0x78: {  	[tilespmem:s8+$0x7D20] =	vst v3;
	v1 =	vadd.f32 v1, v5;
	v3 =	vmul.f32 $1.131370830e+01, v6  }
0x79: {  	s7 =	smul.u32 $0x258, s6;
	[tilespmem:s8+$0x7D30] =	vst v2;
	v0 =	vadd.f32 v0, v4;
	v2 =	vmul.f32 $1.131370830e+01, v12  }
0x7a: {  	[tilespmem:s8+$0x7D40] =	vst v1;
	v1 =	vadd.f32 v13, v3  }
0x7b: {  	s11 =	sadd.s32 s7, s9;
	[tilespmem:s8+$0x7D50] =	vst v0;
	v0 =	vadd.f32 v8, v2  }
0x7c: {  	s11 =	sshll.u32 s11, $0x4;
	[tilespmem:s8+$0x7D60] =	vst v1  }
0x7d: {  	s12 =	simm.s32 $0x0;
	s11 =	sadd.s32 s3, s11;
	[tilespmem:s8+$0x7D70] =	vst v0  }
0x7e: {  	[hbm4b:s11+s12] =	stream.linear.scatter [tilespmem:s23], [sflag:$0x5], $0x6400, $0x38;
	[tilespmem:$0x1A900] =	vst v63  }
0x7f: {  	_ =	swait.ge [sflag:s16], $0x6400  }
0x80: {  	[sflag:s16] =	ssyncset.done $0x0  }
0x81: {  	s8 =	sadd.s32 $0x258, s7;
	[sflag:s16] =	ssyncadd.s32 $0xFFFF9C00  }
0x82: {  	[tilespmem:s19], [sflag:$0x1] =	stream.indirect.gather [hbm4b:s1+s18], $0x80, s8, s18, $0xb8;
	[tilespmem:$0x1A900] =	vst v63  }
0x83: {  	s13 =	sadd.s32 $0x2B8, s7  }
0x84: {  	[tilespmem:s21], [sflag:$0x1] =	stream.indirect.gather [hbm4b:s1+s20], $0x80, s13, s20, $0xb8;
	[tilespmem:$0x1A900] =	vst v63  }
0x85: {  	_ =	swait.ge [sflag:s22], $0x6400  }
0x86: {  	[sflag:s22] =	ssyncset.done $0x0  }
0x87: {  	s11 =	simm.s32 $0x0;
	[sflag:s22] =	ssyncadd.s32 $0xFFFF9C00  }
0x88: {  	v5 =	vld [tilespmem:s11+$0x14500]  }
0x89: {  	v4 =	vld [tilespmem:s11+$0x14510]  }
0x8a: {  	v3 =	vld [tilespmem:s11+$0x14520]  }
0x8b: {  	v2 =	vld [tilespmem:s11+$0x14530]  }
0x8c: {  	v1 =	vld [tilespmem:s11+$0x14540]  }
0x8d: {  	v0 =	vld [tilespmem:s11+$0x14550]  }
0x8e: {  	v6 =	vld [tilespmem:s11+$0xE100]  }
0x8f: {  	v11 =	vld [tilespmem:s11+$0xE110]  }
0x90: {  	v10 =	vld [tilespmem:s11+$0xE120]  }
0x91: {  	v9 =	vld [tilespmem:s11+$0xE130]  }
0x92: {  	v8 =	vld [tilespmem:s11+$0xE140]  }
0x93: {  	v7 =	vld [tilespmem:s11+$0xE150];
	v12 =	vmul.f32 $1.131370830e+01, v6  }
0x94: {  	s12 =	simm.s32 $0x200;
	v11 =	vmul.f32 $1.131370830e+01, v11;
	v6 =	vld [tilespmem:s11+$0xE160]  }
.LBB2_7:
0x95: {  	p0 =	sne.s32 s12, $0x18E00;
	v5 =	vadd.f32 v5, v12;
	v10 =	vmul.f32 $1.131370830e+01, v10;
	v12 =	vld [tilespmem:s11+$0xE170]  }
0x96: {  	v4 =	vadd.f32 v4, v11;
	v9 =	vmul.f32 $1.131370830e+01, v9;
	v11 =	vld [tilespmem:s11+$0x14560]  }
0x97: {  	s13 =	sshra.s32 s12, $0x2;
	[tilespmem:s11+$0xE100] =	vst v5;
	v3 =	vadd.f32 v3, v10;
	v8 =	vmul.f32 $1.131370830e+01, v8;
	v10 =	vld [tilespmem:s11+$0x14570]  }
0x98: {  	v5 =	vld [tilespmem:s13+$0x14500];
	[tilespmem:s11+$0xE110] =	vst v4;
	v2 =	vadd.f32 v2, v9;
	v7 =	vmul.f32 $1.131370830e+01, v7  }
0x99: {  	v4 =	vld [tilespmem:s13+$0x14510];
	[tilespmem:s11+$0xE120] =	vst v3;
	v1 =	vadd.f32 v1, v8;
	v6 =	vmul.f32 $1.131370830e+01, v6  }
0x9a: {  	v3 =	vld [tilespmem:s13+$0x14520];
	[tilespmem:s11+$0xE130] =	vst v2;
	v0 =	vadd.f32 v0, v7;
	v7 =	vmul.f32 $1.131370830e+01, v12  }
0x9b: {  	v2 =	vld [tilespmem:s13+$0x14530];
	[tilespmem:s11+$0xE140] =	vst v1;
	v6 =	vadd.f32 v11, v6  }
0x9c: {  	v1 =	vld [tilespmem:s13+$0x14540];
	[tilespmem:s11+$0xE150] =	vst v0;
	v7 =	vadd.f32 v10, v7  }
0x9d: {  	v0 =	vld [tilespmem:s13+$0x14550];
	[tilespmem:s11+$0xE160] =	vst v6  }
0x9e: {  	v6 =	vld [tilespmem:s13+$0xE100];
	[tilespmem:s11+$0xE170] =	vst v7;
	s11 =	smov.u32 s13  }
0x9f: {  	v11 =	vld [tilespmem:s11+$0xE110]  }
.Ltmp2:
0xa0: {  	v10 =	vld [tilespmem:s11+$0xE120];
	(pc) =	sbr.rel @p0 .LBB2_7-.Ltmp2, $4  }
0xa1: {  	v9 =	vld [tilespmem:s11+$0xE130]  }
0xa2: {  	v8 =	vld [tilespmem:s11+$0xE140]  }
0xa3: {  	v12 =	vmul.f32 $1.131370830e+01, v6;
	v7 =	vld [tilespmem:s11+$0xE150]  }
0xa4: {  	s12 =	sadd.s32 $0x200, s12;
	v11 =	vmul.f32 $1.131370830e+01, v11;
	v6 =	vld [tilespmem:s11+$0xE160]  }
0xa5: {  	v5 =	vadd.f32 v5, v12;
	v12 =	vld [tilespmem:s11+$0xE170];
	v10 =	vmul.f32 $1.131370830e+01, v10  }
0xa6: {  	v13 =	vld [tilespmem:s11+$0x14560];
	v4 =	vadd.f32 v4, v11;
	v9 =	vmul.f32 $1.131370830e+01, v9  }
0xa7: {  	[tilespmem:s11+$0xE100] =	vst v5;
	v3 =	vadd.f32 v3, v10;
	v5 =	vmul.f32 $1.131370830e+01, v8;
	v8 =	vld [tilespmem:s11+$0x14570]  }
0xa8: {  	[tilespmem:s11+$0xE110] =	vst v4;
	v2 =	vadd.f32 v2, v9;
	v4 =	vmul.f32 $1.131370830e+01, v7  }
0xa9: {  	[tilespmem:s11+$0xE120] =	vst v3;
	v1 =	vadd.f32 v1, v5;
	v3 =	vmul.f32 $1.131370830e+01, v6  }
0xaa: {  	[tilespmem:s11+$0xE130] =	vst v2;
	v0 =	vadd.f32 v0, v4;
	v2 =	vmul.f32 $1.131370830e+01, v12  }
0xab: {  	[tilespmem:s11+$0xE140] =	vst v1;
	v1 =	vadd.f32 v13, v3  }
0xac: {  	s12 =	sadd.s32 s7, s10;
	[tilespmem:s11+$0xE150] =	vst v0;
	v0 =	vadd.f32 v8, v2  }
0xad: {  	s12 =	sshll.u32 s12, $0x4;
	[tilespmem:s11+$0xE160] =	vst v1  }
0xae: {  	s13 =	simm.s32 $0x0;
	s12 =	sadd.s32 s3, s12;
	[tilespmem:s11+$0xE170] =	vst v0  }
0xaf: {  	[hbm4b:s12+s13] =	stream.linear.scatter [tilespmem:s30], [sflag:$0x6], $0x6400, $0x38;
	[tilespmem:$0x1A900] =	vst v63  }
0xb0: {  	_ =	swait.ge [sflag:s24], $0x6400  }
0xb1: {  	[sflag:s24] =	ssyncset.done $0x0  }
0xb2: {  	s12 =	sadd.s32 $0x320, s7;
	[sflag:s24] =	ssyncadd.s32 $0xFFFF9C00  }
0xb3: {  	[tilespmem:s23], [sflag:$0x2] =	stream.indirect.gather [hbm4b:s1+s18], $0x80, s12, s18, $0xb8;
	[tilespmem:$0x1A900] =	vst v63  }
0xb4: {  	s13 =	sadd.s32 $0x380, s7  }
0xb5: {  	[tilespmem:s25], [sflag:$0x2] =	stream.indirect.gather [hbm4b:s1+s20], $0x80, s13, s20, $0xb8;
	[tilespmem:$0x1A900] =	vst v63  }
0xb6: {  	_ =	swait.ge [sflag:s28], $0x6400  }
0xb7: {  	[sflag:s28] =	ssyncset.done $0x0  }
0xb8: {  	s11 =	simm.s32 $0x0;
	[sflag:s28] =	ssyncadd.s32 $0xFFFF9C00  }
0xb9: {  	v5 =	vld [tilespmem:s11+$0x14500]  }
0xba: {  	v4 =	vld [tilespmem:s11+$0x14510]  }
0xbb: {  	v3 =	vld [tilespmem:s11+$0x14520]  }
0xbc: {  	v2 =	vld [tilespmem:s11+$0x14530]  }
0xbd: {  	v1 =	vld [tilespmem:s11+$0x14540]  }
0xbe: {  	v0 =	vld [tilespmem:s11+$0x14550]  }
0xbf: {  	v6 =	vld [tilespmem:s11+$0x1900]  }
0xc0: {  	v11 =	vld [tilespmem:s11+$0x1910]  }
0xc1: {  	v10 =	vld [tilespmem:s11+$0x1920]  }
0xc2: {  	v9 =	vld [tilespmem:s11+$0x1930]  }
0xc3: {  	v8 =	vld [tilespmem:s11+$0x1940]  }
0xc4: {  	v7 =	vld [tilespmem:s11+$0x1950];
	v12 =	vmul.f32 $1.131370830e+01, v6  }
0xc5: {  	s12 =	simm.s32 $0x200;
	v11 =	vmul.f32 $1.131370830e+01, v11;
	v6 =	vld [tilespmem:s11+$0x1960]  }
.LBB2_9:
0xc6: {  	p0 =	sne.s32 s12, $0x18E00;
	v5 =	vadd.f32 v5, v12;
	v10 =	vmul.f32 $1.131370830e+01, v10;
	v12 =	vld [tilespmem:s11+$0x1970]  }
0xc7: {  	v4 =	vadd.f32 v4, v11;
	v9 =	vmul.f32 $1.131370830e+01, v9;
	v11 =	vld [tilespmem:s11+$0x14560]  }
0xc8: {  	s13 =	sshra.s32 s12, $0x2;
	[tilespmem:s11+$0x1900] =	vst v5;
	v3 =	vadd.f32 v3, v10;
	v8 =	vmul.f32 $1.131370830e+01, v8;
	v10 =	vld [tilespmem:s11+$0x14570]  }
0xc9: {  	v5 =	vld [tilespmem:s13+$0x14500];
	[tilespmem:s11+$0x1910] =	vst v4;
	v2 =	vadd.f32 v2, v9;
	v7 =	vmul.f32 $1.131370830e+01, v7  }
0xca: {  	v4 =	vld [tilespmem:s13+$0x14510];
	[tilespmem:s11+$0x1920] =	vst v3;
	v1 =	vadd.f32 v1, v8;
	v6 =	vmul.f32 $1.131370830e+01, v6  }
0xcb: {  	v3 =	vld [tilespmem:s13+$0x14520];
	[tilespmem:s11+$0x1930] =	vst v2;
	v0 =	vadd.f32 v0, v7;
	v7 =	vmul.f32 $1.131370830e+01, v12  }
0xcc: {  	v2 =	vld [tilespmem:s13+$0x14530];
	[tilespmem:s11+$0x1940] =	vst v1;
	v6 =	vadd.f32 v11, v6  }
0xcd: {  	v1 =	vld [tilespmem:s13+$0x14540];
	[tilespmem:s11+$0x1950] =	vst v0;
	v7 =	vadd.f32 v10, v7  }
0xce: {  	v0 =	vld [tilespmem:s13+$0x14550];
	[tilespmem:s11+$0x1960] =	vst v6  }
0xcf: {  	v6 =	vld [tilespmem:s13+$0x1900];
	[tilespmem:s11+$0x1970] =	vst v7;
	s11 =	smov.u32 s13  }
0xd0: {  	v11 =	vld [tilespmem:s11+$0x1910]  }
.Ltmp3:
0xd1: {  	v10 =	vld [tilespmem:s11+$0x1920];
	(pc) =	sbr.rel @p0 .LBB2_9-.Ltmp3, $4  }
0xd2: {  	v9 =	vld [tilespmem:s11+$0x1930]  }
0xd3: {  	v8 =	vld [tilespmem:s11+$0x1940]  }
0xd4: {  	v12 =	vmul.f32 $1.131370830e+01, v6;
	v7 =	vld [tilespmem:s11+$0x1950]  }
0xd5: {  	s12 =	sadd.s32 $0x200, s12;
	v11 =	vmul.f32 $1.131370830e+01, v11;
	v6 =	vld [tilespmem:s11+$0x1960]  }
0xd6: {  	v5 =	vadd.f32 v5, v12;
	v56 =	vld [tilespmem:s11+$0x1970];
	v10 =	vmul.f32 $1.131370830e+01, v10  }
0xd7: {  	v13 =	vld [tilespmem:s11+$0x14560];
	v4 =	vadd.f32 v4, v11;
	v9 =	vmul.f32 $1.131370830e+01, v9  }
0xd8: {  	v58 =	vld [tilespmem:s11+$0x14570];
	[tilespmem:s11+$0x1900] =	vst v5;
	v3 =	vadd.f32 v3, v10;
	v57 =	vmul.f32 $1.131370830e+01, v8  }
0xd9: {  	[tilespmem:s11+$0x1910] =	vst v4;
	v2 =	vadd.f32 v2, v9;
	v59 =	vmul.f32 $1.131370830e+01, v7  }
0xda: {  	[tilespmem:s11+$0x1920] =	vst v3;
	v1 =	vadd.f32 v1, v57;
	v60 =	vmul.f32 $1.131370830e+01, v6  }
0xdb: {  	[tilespmem:s11+$0x1930] =	vst v2;
	v0 =	vadd.f32 v0, v59;
	v61 =	vmul.f32 $1.131370830e+01, v56  }
0xdc: {  	[tilespmem:s11+$0x1940] =	vst v1;
	v62 =	vadd.f32 v13, v60  }
0xdd: {  	s8 =	sadd.s32 s5, s8;
	[tilespmem:s11+$0x1950] =	vst v0;
	v63 =	vadd.f32 v58, v61  }
0xde: {  	s8 =	sshll.u32 s8, $0x4;
	[tilespmem:s11+$0x1960] =	vst v62  }
0xdf: {  	s6 =	sadd.s32 $0x1, s6;
	s8 =	sadd.s32 s3, s8;
	[tilespmem:s11+$0x1970] =	vst v63  }
0xe0: {  	[hbm4b:s8+s4] =	stream.linear.scatter [tilespmem:s19], [sflag:$0x4], $0x6400, $0x38;
	[tilespmem:$0x1A900] =	vst v63  }
0xe1: {  	p0 =	sne.s32 s6, $0x9;
	_ =	swait.ge [sflag:s29], $0x6400  }
.Ltmp4:
0xe2: {  	[sflag:s29] =	ssyncset.done $0x0;
	(pc) =	sbr.rel @p0 .LBB2_4-.Ltmp4, $4  }
0xe3: {  	s12 =	sadd.s32 $0x3E8, s7;
	[sflag:s29] =	ssyncadd.s32 $0xFFFF9C00  }
0xe4: {  	[tilespmem:s30], [sflag:$0x3] =	stream.indirect.gather [hbm4b:s1+s18], $0x80, s12, s18, $0xb8;
	[tilespmem:$0x1A900] =	vst v63  }
0xe5: {  	s13 =	sadd.s32 $0x448, s7  }
0xe6: {  	[tilespmem:s2], [sflag:$0x3] =	stream.indirect.gather [hbm4b:s1+s20], $0x80, s13, s20, $0xb8;
	[tilespmem:$0x1A900] =	vst v63  }
0xe7: {  	_ =	swait.ge [sflag:s0], $0x6400  }
0xe8: {  	[sflag:s0] =	ssyncset.done $0x0  }
0xe9: {  	s6 =	simm.s32 $0x0;
	[sflag:s0] =	ssyncadd.s32 $0xFFFF9C00  }
0xea: {  	v5 =	vld [tilespmem:s6+$0x14500]  }
0xeb: {  	v4 =	vld [tilespmem:s6+$0x14510]  }
0xec: {  	v3 =	vld [tilespmem:s6+$0x14520]  }
0xed: {  	v2 =	vld [tilespmem:s6+$0x14530]  }
0xee: {  	v1 =	vld [tilespmem:s6+$0x14540]  }
0xef: {  	v0 =	vld [tilespmem:s6+$0x14550]  }
0xf0: {  	v6 =	vld [tilespmem:s6+$0x7D00]  }
0xf1: {  	v11 =	vld [tilespmem:s6+$0x7D10]  }
0xf2: {  	v10 =	vld [tilespmem:s6+$0x7D20]  }
0xf3: {  	v9 =	vld [tilespmem:s6+$0x7D30]  }
0xf4: {  	v8 =	vld [tilespmem:s6+$0x7D40]  }
0xf5: {  	v7 =	vld [tilespmem:s6+$0x7D50];
	v12 =	vmul.f32 $1.131370830e+01, v6  }
0xf6: {  	s7 =	simm.s32 $0x200;
	v11 =	vmul.f32 $1.131370830e+01, v11;
	v6 =	vld [tilespmem:s6+$0x7D60]  }
.LBB2_12:
0xf7: {  	p0 =	sne.s32 s7, $0x18E00;
	v5 =	vadd.f32 v5, v12;
	v10 =	vmul.f32 $1.131370830e+01, v10;
	v12 =	vld [tilespmem:s6+$0x7D70]  }
0xf8: {  	v4 =	vadd.f32 v4, v11;
	v9 =	vmul.f32 $1.131370830e+01, v9;
	v11 =	vld [tilespmem:s6+$0x14560]  }
0xf9: {  	s8 =	sshra.s32 s7, $0x2;
	[tilespmem:s6+$0x7D00] =	vst v5;
	v3 =	vadd.f32 v3, v10;
	v8 =	vmul.f32 $1.131370830e+01, v8;
	v10 =	vld [tilespmem:s6+$0x14570]  }
0xfa: {  	v5 =	vld [tilespmem:s8+$0x14500];
	[tilespmem:s6+$0x7D10] =	vst v4;
	v2 =	vadd.f32 v2, v9;
	v7 =	vmul.f32 $1.131370830e+01, v7  }
0xfb: {  	v4 =	vld [tilespmem:s8+$0x14510];
	[tilespmem:s6+$0x7D20] =	vst v3;
	v1 =	vadd.f32 v1, v8;
	v6 =	vmul.f32 $1.131370830e+01, v6  }
0xfc: {  	v3 =	vld [tilespmem:s8+$0x14520];
	[tilespmem:s6+$0x7D30] =	vst v2;
	v0 =	vadd.f32 v0, v7;
	v7 =	vmul.f32 $1.131370830e+01, v12  }
0xfd: {  	v2 =	vld [tilespmem:s8+$0x14530];
	[tilespmem:s6+$0x7D40] =	vst v1;
	v6 =	vadd.f32 v11, v6  }
0xfe: {  	v1 =	vld [tilespmem:s8+$0x14540];
	[tilespmem:s6+$0x7D50] =	vst v0;
	v7 =	vadd.f32 v10, v7  }
0xff: {  	v0 =	vld [tilespmem:s8+$0x14550];
	[tilespmem:s6+$0x7D60] =	vst v6  }
0x100: {  	v6 =	vld [tilespmem:s8+$0x7D00];
	[tilespmem:s6+$0x7D70] =	vst v7;
	s6 =	smov.u32 s8  }
0x101: {  	v11 =	vld [tilespmem:s6+$0x7D10]  }
.Ltmp5:
0x102: {  	v10 =	vld [tilespmem:s6+$0x7D20];
	(pc) =	sbr.rel @p0 .LBB2_12-.Ltmp5, $4  }
0x103: {  	v9 =	vld [tilespmem:s6+$0x7D30]  }
0x104: {  	v8 =	vld [tilespmem:s6+$0x7D40]  }
0x105: {  	v12 =	vmul.f32 $1.131370830e+01, v6;
	v7 =	vld [tilespmem:s6+$0x7D50]  }
0x106: {  	s7 =	sadd.s32 $0x200, s7;
	v11 =	vmul.f32 $1.131370830e+01, v11;
	v6 =	vld [tilespmem:s6+$0x7D60]  }
0x107: {  	v5 =	vadd.f32 v5, v12;
	v12 =	vld [tilespmem:s6+$0x7D70];
	v10 =	vmul.f32 $1.131370830e+01, v10  }
0x108: {  	v13 =	vld [tilespmem:s6+$0x14560];
	v4 =	vadd.f32 v4, v11;
	v9 =	vmul.f32 $1.131370830e+01, v9  }
0x109: {  	[tilespmem:s6+$0x7D00] =	vst v5;
	v3 =	vadd.f32 v3, v10;
	v5 =	vmul.f32 $1.131370830e+01, v8;
	v8 =	vld [tilespmem:s6+$0x14570]  }
0x10a: {  	[tilespmem:s6+$0x7D10] =	vst v4;
	v2 =	vadd.f32 v2, v9;
	v4 =	vmul.f32 $1.131370830e+01, v7  }
0x10b: {  	[tilespmem:s6+$0x7D20] =	vst v3;
	v1 =	vadd.f32 v1, v5;
	v3 =	vmul.f32 $1.131370830e+01, v6  }
0x10c: {  	[tilespmem:s6+$0x7D30] =	vst v2;
	v0 =	vadd.f32 v0, v4;
	v2 =	vmul.f32 $1.131370830e+01, v12  }
0x10d: {  	[tilespmem:s6+$0x7D40] =	vst v1;
	v1 =	vadd.f32 v13, v3  }
0x10e: {  	[tilespmem:s6+$0x7D50] =	vst v0;
	v0 =	vadd.f32 v8, v2  }
0x10f: {  	[tilespmem:s6+$0x7D60] =	vst v1  }
0x110: {  	s11 =	simm.s32 $0x0;
	s7 =	rddreg [dreg:$0x7];
	[tilespmem:s6+$0x7D70] =	vst v0  }
0x111: {  	[hbm4b:s7+s11] =	stream.linear.scatter [tilespmem:s23], [sflag:$0x5], $0x6400, $0x38;
	[tilespmem:$0x1A900] =	vst v63  }
0x112: {  	_ =	swait.ge [sflag:s16], $0x6400  }
0x113: {  	[sflag:s16] =	ssyncset.done $0x0  }
0x114: {  	s12 =	simm.s32 $0x1770;
	[sflag:s16] =	ssyncadd.s32 $0xFFFF9C00  }
0x115: {  	[tilespmem:s19], [sflag:$0x1] =	stream.indirect.gather [hbm4b:s1+s18], $0x80, s12, s18, $0xb8;
	[tilespmem:$0x1A900] =	vst v63  }
0x116: {  	s13 =	simm.s32 $0x17D0  }
0x117: {  	[tilespmem:s21], [sflag:$0x1] =	stream.indirect.gather [hbm4b:s1+s20], $0x80, s13, s20, $0xb8;
	[tilespmem:$0x1A900] =	vst v63  }
0x118: {  	_ =	swait.ge [sflag:s22], $0x6400  }
0x119: {  	[sflag:s22] =	ssyncset.done $0x0  }
0x11a: {  	s6 =	simm.s32 $0x0;
	[sflag:s22] =	ssyncadd.s32 $0xFFFF9C00  }
0x11b: {  	v5 =	vld [tilespmem:s6+$0x14500]  }
0x11c: {  	v4 =	vld [tilespmem:s6+$0x14510]  }
0x11d: {  	v3 =	vld [tilespmem:s6+$0x14520]  }
0x11e: {  	v2 =	vld [tilespmem:s6+$0x14530]  }
0x11f: {  	v1 =	vld [tilespmem:s6+$0x14540]  }
0x120: {  	v0 =	vld [tilespmem:s6+$0x14550]  }
0x121: {  	v6 =	vld [tilespmem:s6+$0xE100]  }
0x122: {  	v11 =	vld [tilespmem:s6+$0xE110]  }
0x123: {  	v10 =	vld [tilespmem:s6+$0xE120]  }
0x124: {  	v9 =	vld [tilespmem:s6+$0xE130]  }
0x125: {  	v8 =	vld [tilespmem:s6+$0xE140]  }
0x126: {  	v7 =	vld [tilespmem:s6+$0xE150];
	v12 =	vmul.f32 $1.131370830e+01, v6  }
0x127: {  	s7 =	simm.s32 $0x200;
	v11 =	vmul.f32 $1.131370830e+01, v11;
	v6 =	vld [tilespmem:s6+$0xE160]  }
.LBB2_14:
0x128: {  	p0 =	sne.s32 s7, $0x18E00;
	v5 =	vadd.f32 v5, v12;
	v10 =	vmul.f32 $1.131370830e+01, v10;
	v12 =	vld [tilespmem:s6+$0xE170]  }
0x129: {  	v4 =	vadd.f32 v4, v11;
	v9 =	vmul.f32 $1.131370830e+01, v9;
	v11 =	vld [tilespmem:s6+$0x14560]  }
0x12a: {  	s8 =	sshra.s32 s7, $0x2;
	[tilespmem:s6+$0xE100] =	vst v5;
	v3 =	vadd.f32 v3, v10;
	v8 =	vmul.f32 $1.131370830e+01, v8;
	v10 =	vld [tilespmem:s6+$0x14570]  }
0x12b: {  	v5 =	vld [tilespmem:s8+$0x14500];
	[tilespmem:s6+$0xE110] =	vst v4;
	v2 =	vadd.f32 v2, v9;
	v7 =	vmul.f32 $1.131370830e+01, v7  }
0x12c: {  	v4 =	vld [tilespmem:s8+$0x14510];
	[tilespmem:s6+$0xE120] =	vst v3;
	v1 =	vadd.f32 v1, v8;
	v6 =	vmul.f32 $1.131370830e+01, v6  }
0x12d: {  	v3 =	vld [tilespmem:s8+$0x14520];
	[tilespmem:s6+$0xE130] =	vst v2;
	v0 =	vadd.f32 v0, v7;
	v7 =	vmul.f32 $1.131370830e+01, v12  }
0x12e: {  	v2 =	vld [tilespmem:s8+$0x14530];
	[tilespmem:s6+$0xE140] =	vst v1;
	v6 =	vadd.f32 v11, v6  }
0x12f: {  	v1 =	vld [tilespmem:s8+$0x14540];
	[tilespmem:s6+$0xE150] =	vst v0;
	v7 =	vadd.f32 v10, v7  }
0x130: {  	v0 =	vld [tilespmem:s8+$0x14550];
	[tilespmem:s6+$0xE160] =	vst v6  }
0x131: {  	v6 =	vld [tilespmem:s8+$0xE100];
	[tilespmem:s6+$0xE170] =	vst v7;
	s6 =	smov.u32 s8  }
0x132: {  	v11 =	vld [tilespmem:s6+$0xE110]  }
.Ltmp6:
0x133: {  	v10 =	vld [tilespmem:s6+$0xE120];
	(pc) =	sbr.rel @p0 .LBB2_14-.Ltmp6, $4  }
0x134: {  	v9 =	vld [tilespmem:s6+$0xE130]  }
0x135: {  	v8 =	vld [tilespmem:s6+$0xE140]  }
0x136: {  	v12 =	vmul.f32 $1.131370830e+01, v6;
	v7 =	vld [tilespmem:s6+$0xE150]  }
0x137: {  	s7 =	sadd.s32 $0x200, s7;
	v11 =	vmul.f32 $1.131370830e+01, v11;
	v6 =	vld [tilespmem:s6+$0xE160]  }
0x138: {  	v5 =	vadd.f32 v5, v12;
	v12 =	vld [tilespmem:s6+$0xE170];
	v10 =	vmul.f32 $1.131370830e+01, v10  }
0x139: {  	v13 =	vld [tilespmem:s6+$0x14560];
	v4 =	vadd.f32 v4, v11;
	v9 =	vmul.f32 $1.131370830e+01, v9  }
0x13a: {  	[tilespmem:s6+$0xE100] =	vst v5;
	v3 =	vadd.f32 v3, v10;
	v5 =	vmul.f32 $1.131370830e+01, v8;
	v8 =	vld [tilespmem:s6+$0x14570]  }
0x13b: {  	[tilespmem:s6+$0xE110] =	vst v4;
	v2 =	vadd.f32 v2, v9;
	v4 =	vmul.f32 $1.131370830e+01, v7  }
0x13c: {  	[tilespmem:s6+$0xE120] =	vst v3;
	v1 =	vadd.f32 v1, v5;
	v3 =	vmul.f32 $1.131370830e+01, v6  }
0x13d: {  	[tilespmem:s6+$0xE130] =	vst v2;
	v0 =	vadd.f32 v0, v4;
	v2 =	vmul.f32 $1.131370830e+01, v12  }
0x13e: {  	[tilespmem:s6+$0xE140] =	vst v1;
	v1 =	vadd.f32 v13, v3  }
0x13f: {  	[tilespmem:s6+$0xE150] =	vst v0;
	v0 =	vadd.f32 v8, v2  }
0x140: {  	[tilespmem:s6+$0xE160] =	vst v1  }
0x141: {  	s11 =	simm.s32 $0x0;
	s7 =	rddreg [dreg:$0x8];
	[tilespmem:s6+$0xE170] =	vst v0  }
0x142: {  	[hbm4b:s7+s11] =	stream.linear.scatter [tilespmem:s30], [sflag:$0x6], $0x6400, $0x38;
	[tilespmem:$0x1A900] =	vst v63  }
0x143: {  	_ =	swait.ge [sflag:s24], $0x6400  }
0x144: {  	[sflag:s24] =	ssyncset.done $0x0  }
0x145: {  	s12 =	simm.s32 $0x1838;
	[sflag:s24] =	ssyncadd.s32 $0xFFFF9C00  }
0x146: {  	[tilespmem:s23], [sflag:$0x2] =	stream.indirect.gather [hbm4b:s1+s18], $0x80, s12, s18, $0xb8;
	[tilespmem:$0x1A900] =	vst v63  }
0x147: {  	s13 =	simm.s32 $0x1898  }
0x148: {  	[tilespmem:s25], [sflag:$0x2] =	stream.indirect.gather [hbm4b:s1+s20], $0x80, s13, s20, $0xb8;
	[tilespmem:$0x1A900] =	vst v63  }
0x149: {  	_ =	swait.ge [sflag:s28], $0x6400  }
0x14a: {  	[sflag:s28] =	ssyncset.done $0x0  }
0x14b: {  	s6 =	simm.s32 $0x0;
	[sflag:s28] =	ssyncadd.s32 $0xFFFF9C00  }
0x14c: {  	v5 =	vld [tilespmem:s6+$0x14500]  }
0x14d: {  	v4 =	vld [tilespmem:s6+$0x14510]  }
0x14e: {  	v3 =	vld [tilespmem:s6+$0x14520]  }
0x14f: {  	v2 =	vld [tilespmem:s6+$0x14530]  }
0x150: {  	v1 =	vld [tilespmem:s6+$0x14540]  }
0x151: {  	v0 =	vld [tilespmem:s6+$0x14550]  }
0x152: {  	v6 =	vld [tilespmem:s6+$0x1900]  }
0x153: {  	v11 =	vld [tilespmem:s6+$0x1910]  }
0x154: {  	v10 =	vld [tilespmem:s6+$0x1920]  }
0x155: {  	v9 =	vld [tilespmem:s6+$0x1930]  }
0x156: {  	v8 =	vld [tilespmem:s6+$0x1940]  }
0x157: {  	v7 =	vld [tilespmem:s6+$0x1950];
	v12 =	vmul.f32 $1.131370830e+01, v6  }
0x158: {  	s7 =	simm.s32 $0x200;
	v11 =	vmul.f32 $1.131370830e+01, v11;
	v6 =	vld [tilespmem:s6+$0x1960]  }
.LBB2_16:
0x159: {  	p0 =	sne.s32 s7, $0x18E00;
	v5 =	vadd.f32 v5, v12;
	v10 =	vmul.f32 $1.131370830e+01, v10;
	v12 =	vld [tilespmem:s6+$0x1970]  }
0x15a: {  	v4 =	vadd.f32 v4, v11;
	v9 =	vmul.f32 $1.131370830e+01, v9;
	v11 =	vld [tilespmem:s6+$0x14560]  }
0x15b: {  	s8 =	sshra.s32 s7, $0x2;
	[tilespmem:s6+$0x1900] =	vst v5;
	v3 =	vadd.f32 v3, v10;
	v8 =	vmul.f32 $1.131370830e+01, v8;
	v10 =	vld [tilespmem:s6+$0x14570]  }
0x15c: {  	v5 =	vld [tilespmem:s8+$0x14500];
	[tilespmem:s6+$0x1910] =	vst v4;
	v2 =	vadd.f32 v2, v9;
	v7 =	vmul.f32 $1.131370830e+01, v7  }
0x15d: {  	v4 =	vld [tilespmem:s8+$0x14510];
	[tilespmem:s6+$0x1920] =	vst v3;
	v1 =	vadd.f32 v1, v8;
	v6 =	vmul.f32 $1.131370830e+01, v6  }
0x15e: {  	v3 =	vld [tilespmem:s8+$0x14520];
	[tilespmem:s6+$0x1930] =	vst v2;
	v0 =	vadd.f32 v0, v7;
	v7 =	vmul.f32 $1.131370830e+01, v12  }
0x15f: {  	v2 =	vld [tilespmem:s8+$0x14530];
	[tilespmem:s6+$0x1940] =	vst v1;
	v6 =	vadd.f32 v11, v6  }
0x160: {  	v1 =	vld [tilespmem:s8+$0x14540];
	[tilespmem:s6+$0x1950] =	vst v0;
	v7 =	vadd.f32 v10, v7  }
0x161: {  	v0 =	vld [tilespmem:s8+$0x14550];
	[tilespmem:s6+$0x1960] =	vst v6  }
0x162: {  	v6 =	vld [tilespmem:s8+$0x1900];
	[tilespmem:s6+$0x1970] =	vst v7;
	s6 =	smov.u32 s8  }
0x163: {  	v11 =	vld [tilespmem:s6+$0x1910]  }
.Ltmp7:
0x164: {  	v10 =	vld [tilespmem:s6+$0x1920];
	(pc) =	sbr.rel @p0 .LBB2_16-.Ltmp7, $4  }
0x165: {  	v9 =	vld [tilespmem:s6+$0x1930]  }
0x166: {  	v8 =	vld [tilespmem:s6+$0x1940]  }
0x167: {  	v12 =	vmul.f32 $1.131370830e+01, v6;
	v7 =	vld [tilespmem:s6+$0x1950]  }
0x168: {  	s7 =	sadd.s32 $0x200, s7;
	v11 =	vmul.f32 $1.131370830e+01, v11;
	v6 =	vld [tilespmem:s6+$0x1960]  }
0x169: {  	v5 =	vadd.f32 v5, v12;
	v12 =	vld [tilespmem:s6+$0x1970];
	v10 =	vmul.f32 $1.131370830e+01, v10  }
0x16a: {  	v13 =	vld [tilespmem:s6+$0x14560];
	v4 =	vadd.f32 v4, v11;
	v9 =	vmul.f32 $1.131370830e+01, v9  }
0x16b: {  	[tilespmem:s6+$0x1900] =	vst v5;
	v3 =	vadd.f32 v3, v10;
	v5 =	vmul.f32 $1.131370830e+01, v8;
	v8 =	vld [tilespmem:s6+$0x14570]  }
0x16c: {  	[tilespmem:s6+$0x1910] =	vst v4;
	v2 =	vadd.f32 v2, v9;
	v4 =	vmul.f32 $1.131370830e+01, v7  }
0x16d: {  	[tilespmem:s6+$0x1920] =	vst v3;
	v1 =	vadd.f32 v1, v5;
	v3 =	vmul.f32 $1.131370830e+01, v6  }
0x16e: {  	[tilespmem:s6+$0x1930] =	vst v2;
	v0 =	vadd.f32 v0, v4;
	v2 =	vmul.f32 $1.131370830e+01, v12  }
0x16f: {  	[tilespmem:s6+$0x1940] =	vst v1;
	v1 =	vadd.f32 v13, v3  }
0x170: {  	[tilespmem:s6+$0x1950] =	vst v0;
	v0 =	vadd.f32 v8, v2  }
0x171: {  	[tilespmem:s6+$0x1960] =	vst v1  }
0x172: {  	s13 =	simm.s32 $0x0;
	s7 =	rddreg [dreg:$0x9];
	[tilespmem:s6+$0x1970] =	vst v0  }
0x173: {  	[hbm4b:s7+s13] =	stream.linear.scatter [tilespmem:s19], [sflag:$0x4], $0x6400, $0x38;
	[tilespmem:$0x1A900] =	vst v63  }
0x174: {  	_ =	swait.ge [sflag:s0], $0x6400  }
0x175: {  	[sflag:s0] =	ssyncset.done $0x0  }
0x176: {  	s6 =	simm.s32 $0x0;
	[sflag:s0] =	ssyncadd.s32 $0xFFFF9C00  }
0x177: {  	v5 =	vld [tilespmem:s6+$0x14500]  }
0x178: {  	v4 =	vld [tilespmem:s6+$0x14510]  }
0x179: {  	v3 =	vld [tilespmem:s6+$0x14520]  }
0x17a: {  	v2 =	vld [tilespmem:s6+$0x14530]  }
0x17b: {  	v1 =	vld [tilespmem:s6+$0x14540]  }
0x17c: {  	v0 =	vld [tilespmem:s6+$0x14550]  }
0x17d: {  	v6 =	vld [tilespmem:s6+$0x7D00]  }
0x17e: {  	v11 =	vld [tilespmem:s6+$0x7D10]  }
0x17f: {  	v10 =	vld [tilespmem:s6+$0x7D20]  }
0x180: {  	v9 =	vld [tilespmem:s6+$0x7D30]  }
0x181: {  	v8 =	vld [tilespmem:s6+$0x7D40]  }
0x182: {  	v7 =	vld [tilespmem:s6+$0x7D50];
	v12 =	vmul.f32 $1.131370830e+01, v6  }
0x183: {  	s7 =	simm.s32 $0x200;
	v11 =	vmul.f32 $1.131370830e+01, v11;
	v6 =	vld [tilespmem:s6+$0x7D60]  }
.LBB2_18:
0x184: {  	p0 =	sne.s32 s7, $0x18E00;
	v5 =	vadd.f32 v5, v12;
	v10 =	vmul.f32 $1.131370830e+01, v10;
	v12 =	vld [tilespmem:s6+$0x7D70]  }
0x185: {  	v4 =	vadd.f32 v4, v11;
	v9 =	vmul.f32 $1.131370830e+01, v9;
	v11 =	vld [tilespmem:s6+$0x14560]  }
0x186: {  	s8 =	sshra.s32 s7, $0x2;
	[tilespmem:s6+$0x7D00] =	vst v5;
	v3 =	vadd.f32 v3, v10;
	v8 =	vmul.f32 $1.131370830e+01, v8;
	v10 =	vld [tilespmem:s6+$0x14570]  }
0x187: {  	v5 =	vld [tilespmem:s8+$0x14500];
	[tilespmem:s6+$0x7D10] =	vst v4;
	v2 =	vadd.f32 v2, v9;
	v7 =	vmul.f32 $1.131370830e+01, v7  }
0x188: {  	v4 =	vld [tilespmem:s8+$0x14510];
	[tilespmem:s6+$0x7D20] =	vst v3;
	v1 =	vadd.f32 v1, v8;
	v6 =	vmul.f32 $1.131370830e+01, v6  }
0x189: {  	v3 =	vld [tilespmem:s8+$0x14520];
	[tilespmem:s6+$0x7D30] =	vst v2;
	v0 =	vadd.f32 v0, v7;
	v7 =	vmul.f32 $1.131370830e+01, v12  }
0x18a: {  	v2 =	vld [tilespmem:s8+$0x14530];
	[tilespmem:s6+$0x7D40] =	vst v1;
	v6 =	vadd.f32 v11, v6  }
0x18b: {  	v1 =	vld [tilespmem:s8+$0x14540];
	[tilespmem:s6+$0x7D50] =	vst v0;
	v7 =	vadd.f32 v10, v7  }
0x18c: {  	v0 =	vld [tilespmem:s8+$0x14550];
	[tilespmem:s6+$0x7D60] =	vst v6  }
0x18d: {  	v6 =	vld [tilespmem:s8+$0x7D00];
	[tilespmem:s6+$0x7D70] =	vst v7;
	s6 =	smov.u32 s8  }
0x18e: {  	v11 =	vld [tilespmem:s6+$0x7D10]  }
.Ltmp8:
0x18f: {  	v10 =	vld [tilespmem:s6+$0x7D20];
	(pc) =	sbr.rel @p0 .LBB2_18-.Ltmp8, $4  }
0x190: {  	v9 =	vld [tilespmem:s6+$0x7D30]  }
0x191: {  	v8 =	vld [tilespmem:s6+$0x7D40]  }
0x192: {  	v12 =	vmul.f32 $1.131370830e+01, v6;
	v7 =	vld [tilespmem:s6+$0x7D50]  }
0x193: {  	s7 =	sadd.s32 $0x200, s7;
	v11 =	vmul.f32 $1.131370830e+01, v11;
	v6 =	vld [tilespmem:s6+$0x7D60]  }
0x194: {  	v5 =	vadd.f32 v5, v12;
	v56 =	vld [tilespmem:s6+$0x7D70];
	v10 =	vmul.f32 $1.131370830e+01, v10  }
0x195: {  	v13 =	vld [tilespmem:s6+$0x14560];
	v4 =	vadd.f32 v4, v11;
	v9 =	vmul.f32 $1.131370830e+01, v9  }
0x196: {  	v58 =	vld [tilespmem:s6+$0x14570];
	[tilespmem:s6+$0x7D00] =	vst v5;
	v3 =	vadd.f32 v3, v10;
	v57 =	vmul.f32 $1.131370830e+01, v8  }
0x197: {  	[tilespmem:s6+$0x7D10] =	vst v4;
	v2 =	vadd.f32 v2, v9;
	v59 =	vmul.f32 $1.131370830e+01, v7  }
0x198: {  	[tilespmem:s6+$0x7D20] =	vst v3;
	v1 =	vadd.f32 v1, v57;
	v60 =	vmul.f32 $1.131370830e+01, v6  }
0x199: {  	[tilespmem:s6+$0x7D30] =	vst v2;
	v0 =	vadd.f32 v0, v59;
	v61 =	vmul.f32 $1.131370830e+01, v56  }
0x19a: {  	[tilespmem:s6+$0x7D40] =	vst v1;
	v62 =	vadd.f32 v13, v60  }
0x19b: {  	[tilespmem:s6+$0x7D50] =	vst v0;
	v63 =	vadd.f32 v58, v61  }
0x19c: {  	[tilespmem:s6+$0x7D60] =	vst v62  }
0x19d: {  	[tilespmem:s6+$0x7D70] =	vst v63  }
0x19e: {  	[hbm4b:s14+s4] =	stream.linear.scatter [tilespmem:s23], [sflag:$0x5], $0x6400, $0x38;
	[tilespmem:$0x1A900] =	vst v63  }
0x19f: {  	_ =	swait.ge [sflag:s16], $0x6400  }
0x1a0: {  	[sflag:s16] =	ssyncset.done $0x0  }
0x1a1: {  	s31 =	sadd.s32 $0x1, s31;
	[sflag:s16] =	ssyncadd.s32 $0xFFFF9C00  }
0x1a2: {  	p0 =	sne.s32 s31, s15;
	_ =	swait.ge [sflag:s24], $0x6400  }
.Ltmp9:
0x1a3: {  	[sflag:s24] =	ssyncset.done $0x0;
	(pc) =	sbr.rel @p0 .LBB2_1-.Ltmp9, $4  }
0x1a4: {  	[sflag:s24] =	ssyncadd.s32 $0xFFFF9C00  }
0x1a5: {  	_ =	swait.ge [sflag:s29], $0x6400  }
0x1a6: {  	[sflag:s29] =	ssyncset.done $0x0  }
0x1a7: {  	[sflag:s29] =	ssyncadd.s32 $0xFFFF9C00  }
0x1a8: {  	_ =	sfence.sel $0x180000  }
0x1a9: {  	[bflag:$0x0] =	sbarrier.arrive $0xFFFF  }
0x1aa: {  	_ =	strace $0x90000047  }
0x1ab: {  	s0 =	stileid.u32;
	[bflag:$0x2] =	sbarrier.arrive $0xFFFF  }
0x1ac: {  	p0 =	sne.s32 s0, $0x0;
	s0 =	rddreg [dreg:$0x3]  }
0x1ad: {  	s0 =	sadd.s32 @!p0 $0x100000, s0  }
0x1ae: {  	[sflag:s0] =	ssyncadd.tile.s32 @!p0 $0x1;
	_ =	shalt  }
.Lfunc_end2:
_tile_overlayer_lowered:
.L_overlay_start_2:
0x1af: {  	(tag) =	ssettag $0x2  }
0x1b0: {  	s0 =	rddreg [dreg:$0x0];
	s2 =	stileid.u32  }
0x1b1: {  	s1 =	rddreg [dreg:$0x1];
	p0 =	sne.s32 s2, $0x0  }
0x1b2: {  	s3 =	rddreg [dreg:$0x2];
	[bflag:$0x3] =	sbarrier.arrive $0xFFFF;
	s2 =	simm.s32 @!p0 $0x1C08  }
0x1b3: {  	[timem:s3], [sflag:s2] =	dma.local @!p0 [hbm:s0], s1  }
0x1b4: {  	s0 =	simm.s32 @!p0 $0x8  }
0x1b5: {  	_ =	swait.ge @!p0 [sflag:s0], s1  }
0x1b6: {  	s1 =	ssub.s32 @!p0 $0x0, s1;
	[sflag:s0] =	ssyncset.done @!p0 $0x0  }
0x1b7: {  	[sflag:s0] =	ssyncadd.s32 @!p0 s1  }
0x1b8: {  	[bflag:$0x3] =	sbarrier.arrive $0xFFFF  }
0x1b9: {  	_ =	shalt  }

</sc_bundles>
